<compile_context>
chip_gen: v7x
topology: tpu7x:2x2x1
jax: 0.10.2.dev20260603
libtpu: 0.0.44.dev20260713+nightly
codegen_flags: <defaults>
</compile_context>

<pallas_src>
import functools

import jax
import jax.numpy as jnp
from jax import lax
from jax.experimental import pallas as pl
from jax.experimental.pallas import tpu as pltpu
from jax.experimental.pallas import tpu_sc as plsc

_B = 4096
_L = 200
_D = 32
_V = 1000000
_NL = 10
_NC = 2
_NS = 16
_NW = _NC * _NS
_BPW = _B // _NW
_HALF = _D // 16


def _make_sc_pool():
    mesh = plsc.VectorSubcoreMesh(core_axis_name="c", subcore_axis_name="s")

    @functools.partial(
        pl.kernel,
        out_type=jax.ShapeDtypeStruct((_B, _D), jnp.float32),
        mesh=mesh,
        scratch_types=[
            pltpu.VMEM((_L, _BPW), jnp.int32),
            pltpu.VMEM((_BPW, _D), jnp.float32),
            pltpu.SemaphoreType.DMA,
        ],
        compiler_params=pltpu.CompilerParams(
            use_tc_tiling_on_sc=False, needs_layout_passes=False
        ),
    )
    def sc_pool(xt_hbm, tab_hbm, out_hbm, idx_v, acc, sem):
        wid = lax.axis_index("s") * _NC + lax.axis_index("c")
        pltpu.sync_copy(xt_hbm.at[pl.ds(wid * _L, _L)], idx_v)

        zero = jnp.zeros((16,), jnp.float32)
        for r in range(_BPW):
            for h in range(_HALF):
                acc[r, pl.ds(16 * h, 16)] = zero

        @pl.loop(0, _L)
        def _fire(l):
            pltpu.async_copy(tab_hbm.at[idx_v.at[l]], acc, sem, add=True)

        @pl.loop(0, _L)
        def _drain(l):
            pltpu.make_async_copy(tab_hbm.at[idx_v.at[0]], acc, sem).wait()

        pltpu.sync_copy(acc, out_hbm.at[pl.ds(wid * _BPW, _BPW)])

    return sc_pool


_sc_pool = _make_sc_pool()


def _xt_body(x_ref, o_ref):
    o_ref[...] = jnp.transpose(x_ref[...], (1, 0))


def _xt(x):
    return pl.pallas_call(
        _xt_body,
        grid=(_NW,),
        in_specs=[pl.BlockSpec((_BPW, _L), lambda w: (w, 0))],
        out_specs=pl.BlockSpec((_L, _BPW), lambda w: (w, 0)),
        out_shape=jax.ShapeDtypeStruct((_NW * _L, _BPW), jnp.int32),
    )(x)


def _head_body(doc_ref, w_ref, b_ref, out_ref):
    out_ref[...] = (
        jnp.dot(doc_ref[...], w_ref[...], preferred_element_type=jnp.float32)
        + b_ref[...]
    )


def _head(doc, W, b2):
    return pl.pallas_call(
        _head_body,
        out_shape=jax.ShapeDtypeStruct((_B, _NL), jnp.float32),
    )(doc, W, b2)


def kernel(x, m, table, W, b):
    del m
    xt = _xt(x.astype(jnp.int32))
    doc = _sc_pool(xt, table)
    return _head(doc, W, b.reshape(1, _NL))

# --- scband reference (transcript-rebuilt; emitter-appended) ---
"""Pipeline reference for scband-linear-classification-29102698398240 (READ-ONLY COPY).

The authoritative reference and input builder live on the scoring server;
editing this copy changes nothing except your own understanding.
"""

import jax, jax.numpy as jnp
import numpy as np

VOCAB = 1000000
EMBED_DIM = 32
NUM_LABELS = 10
BATCH = 4096
SEQ_LEN = 200


def setup_inputs(seed: int = 0) -> dict:
    key = jax.random.key(seed)
    k_x, k_tab, k_w, k_b = jax.random.split(key, 4)
    x = jax.random.randint(k_x, (BATCH, SEQ_LEN), 0, VOCAB, dtype=jnp.int64) if jax.config.jax_enable_x64 else jax.random.randint(k_x, (BATCH, SEQ_LEN), 0, VOCAB, dtype=jnp.int32)
    m = jnp.ones((BATCH, SEQ_LEN), dtype=jnp.float32)
    table = jax.random.normal(k_tab, (VOCAB, EMBED_DIM), dtype=jnp.float32) * 0.02
    W = jax.random.normal(k_w, (EMBED_DIM, NUM_LABELS), dtype=jnp.float32) * (1.0 / np.sqrt(EMBED_DIM))
    b = jnp.zeros((NUM_LABELS,), dtype=jnp.float32)
    return {"x": x, "m": m, "table": table, "W": W, "b": b}


def reference(x, m, table, W, b):
    # word_embeddings = self.embed_layer(x)  -> gather rows of table
    word_embeddings = jnp.take(table, x, axis=0)          # (B, L, D)
    # doc_embedding = word_embeddings.sum(dim=1)
    doc_embedding = jnp.sum(word_embeddings, axis=1)       # (B, D)
    # predict = self.linear(doc_embedding)
    predict = doc_embedding @ W + b                        # (B, num_labels)
    # original returns (predict, None, None, None); we return the tensor output
    return predict

if __name__ == "__main__":
    import jax
    _d = setup_inputs()
    print(jax.jit(kernel)(*tuple(_d.values())))

</pallas_src>

<mosaic_0001>
#map = affine_map<(d0, d1) -> (0, 0)>
module attributes {stable_mosaic.version = 14 : i64} {
  func.func @sc_pool(%arg0: i32, %arg1: i32, %arg2: memref<6400x128xi32, #tpu.memory_space<hbm>>, %arg3: memref<1000000x32xf32, #tpu.memory_space<hbm>>, %arg4: memref<4096x32xf32, #tpu.memory_space<hbm>>, %arg5: memref<200x128xi32, #tpu.memory_space<vmem>>, %arg6: memref<128x32xf32, #tpu.memory_space<vmem>>, %arg7: memref<!tpu.dma_semaphore, #tpu.memory_space<semaphore_mem>>) attributes {dimension_semantics = [#tpu.dimension_semantics<core_parallel>, #tpu.dimension_semantics<subcore_parallel>], iteration_bounds = array<i64: 2, 16>, scalar_prefetch = 0 : i64, scratch_operands = 3 : i64, tpu.core_type = #tpu.core_type<sc_vector_subcore>, window_params = [{transform_indices = #map}, {transform_indices = #map}, {transform_indices = #map}]} {
    %mul3A = arith.constant 2 : i32
    %mul3A_0 = arith.muli %arg1, %mul3A : i32
    %add3A = arith.addi %mul3A_0, %arg0 : i32
    %mul3A_1 = arith.constant 200 : i32
    %mul3A_2 = arith.muli %add3A, %mul3A_1 : i32
    "tpu.region"() ({
      %run_scoped3A = tpu.sem_alloc : memref<!tpu.dma_semaphore, #tpu.memory_space<semaphore_mem>>
      %dma_start3A = arith.constant 0 : i32
      %dma_start3A_1038 = tpu.memref_slice %arg2[%mul3A_2, %dma_start3A] : memref<6400x128xi32, #tpu.memory_space<hbm>> -> memref<200x128xi32, #tpu.memory_space<hbm>>
      %dma_start3A_1039 = arith.constant 0 : i32
      %dma_start3A_1040 = tpu.memref_slice %arg2[%mul3A_2, %dma_start3A_1039] : memref<6400x128xi32, #tpu.memory_space<hbm>> -> memref<200x128xi32, #tpu.memory_space<hbm>>
      tpu.enqueue_dma source(%dma_start3A_1040 : memref<200x128xi32, #tpu.memory_space<hbm>>) target(%arg5 : memref<200x128xi32, #tpu.memory_space<vmem>>) target_semaphore(%run_scoped3A : memref<!tpu.dma_semaphore, #tpu.memory_space<semaphore_mem>>)
      %dma_wait3A = arith.constant 0 : i32
      %dma_wait3A_1041 = tpu.memref_slice %arg2[%mul3A_2, %dma_wait3A] : memref<6400x128xi32, #tpu.memory_space<hbm>> -> memref<200x128xi32, #tpu.memory_space<hbm>>
      %dma_wait3A_1042 = arith.constant 0 : i32
      %dma_wait3A_1043 = tpu.memref_slice %arg2[%mul3A_2, %dma_wait3A_1042] : memref<6400x128xi32, #tpu.memory_space<hbm>> -> memref<200x128xi32, #tpu.memory_space<hbm>>
      tpu.wait_dma2 semaphore(%run_scoped3A : memref<!tpu.dma_semaphore, #tpu.memory_space<semaphore_mem>>) src(%dma_wait3A_1043 : memref<200x128xi32, #tpu.memory_space<hbm>>) dst(%arg5 : memref<200x128xi32, #tpu.memory_space<vmem>>)
      tpu.yield
    }) : () -> ()
    %broadcast_in_dim3A = arith.constant 0.000000e+00 : f32
    %broadcast_in_dim3A_3 = vector.broadcast %broadcast_in_dim3A : f32 to vector<16xf32>
    %swap3A = arith.constant 0 : i32
    %swap3A_4 = arith.index_cast %swap3A : i32 to index
    %swap3A_5 = arith.constant 0 : index
    %swap3A_6 = tpu.vector_load %arg6[%swap3A_4, %swap3A_5] {strides = array<i32>} : memref<128x32xf32, #tpu.memory_space<vmem>>, vector<16xf32>,
    tpu.vector_store %arg6[%swap3A_4, %swap3A_5], %broadcast_in_dim3A_3 {strides = array<i32>} : memref<128x32xf32, #tpu.memory_space<vmem>>, vector<16xf32>,
    %swap3A_7 = arith.constant 0 : i32
    %swap3A_8 = arith.index_cast %swap3A_7 : i32 to index
    %swap3A_9 = arith.constant 16 : index
    %swap3A_10 = tpu.vector_load %arg6[%swap3A_8, %swap3A_9] {strides = array<i32>} : memref<128x32xf32, #tpu.memory_space<vmem>>, vector<16xf32>,
    tpu.vector_store %arg6[%swap3A_8, %swap3A_9], %broadcast_in_dim3A_3 {strides = array<i32>} : memref<128x32xf32, #tpu.memory_space<vmem>>, vector<16xf32>,
    %swap3A_11 = arith.constant 1 : i32
    %swap3A_12 = arith.index_cast %swap3A_11 : i32 to index
    %swap3A_13 = arith.constant 0 : index
    %swap3A_14 = tpu.vector_load %arg6[%swap3A_12, %swap3A_13] {strides = array<i32>} : memref<128x32xf32, #tpu.memory_space<vmem>>, vector<16xf32>,
    tpu.vector_store %arg6[%swap3A_12, %swap3A_13], %broadcast_in_dim3A_3 {strides = array<i32>} : memref<128x32xf32, #tpu.memory_space<vmem>>, vector<16xf32>,
    %swap3A_15 = arith.constant 1 : i32
    %swap3A_16 = arith.index_cast %swap3A_15 : i32 to index
    %swap3A_17 = arith.constant 16 : index
    %swap3A_18 = tpu.vector_load %arg6[%swap3A_16, %swap3A_17] {strides = array<i32>} : memref<128x32xf32, #tpu.memory_space<vmem>>, vector<16xf32>,
    tpu.vector_store %arg6[%swap3A_16, %swap3A_17], %broadcast_in_dim3A_3 {strides = array<i32>} : memref<128x32xf32, #tpu.memory_space<vmem>>, vector<16xf32>,
    %swap3A_19 = arith.constant 2 : i32
    %swap3A_20 = arith.index_cast %swap3A_19 : i32 to index
    %swap3A_21 = arith.constant 0 : index
    %swap3A_22 = tpu.vector_load %arg6[%swap3A_20, %swap3A_21] {strides = array<i32>} : memref<128x32xf32, #tpu.memory_space<vmem>>, vector<16xf32>,
    tpu.vector_store %arg6[%swap3A_20, %swap3A_21], %broadcast_in_dim3A_3 {strides = array<i32>} : memref<128x32xf32, #tpu.memory_space<vmem>>, vector<16xf32>,
    %swap3A_23 = arith.constant 2 : i32
    %swap3A_24 = arith.index_cast %swap3A_23 : i32 to index
    %swap3A_25 = arith.constant 16 : index
    %swap3A_26 = tpu.vector_load %arg6[%swap3A_24, %swap3A_25] {strides = array<i32>} : memref<128x32xf32, #tpu.memory_space<vmem>>, vector<16xf32>,
    tpu.vector_store %arg6[%swap3A_24, %swap3A_25], %broadcast_in_dim3A_3 {strides = array<i32>} : memref<128x32xf32, #tpu.memory_space<vmem>>, vector<16xf32>,
    %swap3A_27 = arith.constant 3 : i32
    %swap3A_28 = arith.index_cast %swap3A_27 : i32 to index
    %swap3A_29 = arith.constant 0 : index
    %swap3A_30 = tpu.vector_load %arg6[%swap3A_28, %swap3A_29] {strides = array<i32>} : memref<128x32xf32, #tpu.memory_space<vmem>>, vector<16xf32>,
    tpu.vector_store %arg6[%swap3A_28, %swap3A_29], %broadcast_in_dim3A_3 {strides = array<i32>} : memref<128x32xf32, #tpu.memory_space<vmem>>, vector<16xf32>,
    %swap3A_31 = arith.constant 3 : i32
    %swap3A_32 = arith.index_cast %swap3A_31 : i32 to index
    %swap3A_33 = arith.constant 16 : index
    %swap3A_34 = tpu.vector_load %arg6[%swap3A_32, %swap3A_33] {strides = array<i32>} : memref<128x32xf32, #tpu.memory_space<vmem>>, vector<16xf32>,
    tpu.vector_store %arg6[%swap3A_32, %swap3A_33], %broadcast_in_dim3A_3 {strides = array<i32>} : memref<128x32xf32, #tpu.memory_space<vmem>>, vector<16xf32>,
    %swap3A_35 = arith.constant 4 : i32
    %swap3A_36 = arith.index_cast %swap3A_35 : i32 to index
    %swap3A_37 = arith.constant 0 : index
    %swap3A_38 = tpu.vector_load %arg6[%swap3A_36, %swap3A_37] {strides = array<i32>} : memref<128x32xf32, #tpu.memory_space<vmem>>, vector<16xf32>,
    tpu.vector_store %arg6[%swap3A_36, %swap3A_37], %broadcast_in_dim3A_3 {strides = array<i32>} : memref<128x32xf32, #tpu.memory_space<vmem>>, vector<16xf32>,
    %swap3A_39 = arith.constant 4 : i32
    %swap3A_40 = arith.index_cast %swap3A_39 : i32 to index
    %swap3A_41 = arith.constant 16 : index
    %swap3A_42 = tpu.vector_load %arg6[%swap3A_40, %swap3A_41] {strides = array<i32>} : memref<128x32xf32, #tpu.memory_space<vmem>>, vector<16xf32>,
    tpu.vector_store %arg6[%swap3A_40, %swap3A_41], %broadcast_in_dim3A_3 {strides = array<i32>} : memref<128x32xf32, #tpu.memory_space<vmem>>, vector<16xf32>,
    %swap3A_43 = arith.constant 5 : i32
    %swap3A_44 = arith.index_cast %swap3A_43 : i32 to index
    %swap3A_45 = arith.constant 0 : index
    %swap3A_46 = tpu.vector_load %arg6[%swap3A_44, %swap3A_45] {strides = array<i32>} : memref<128x32xf32, #tpu.memory_space<vmem>>, vector<16xf32>,
    tpu.vector_store %arg6[%swap3A_44, %swap3A_45], %broadcast_in_dim3A_3 {strides = array<i32>} : memref<128x32xf32, #tpu.memory_space<vmem>>, vector<16xf32>,
    %swap3A_47 = arith.constant 5 : i32
    %swap3A_48 = arith.index_cast %swap3A_47 : i32 to index
    %swap3A_49 = arith.constant 16 : index
    %swap3A_50 = tpu.vector_load %arg6[%swap3A_48, %swap3A_49] {strides = array<i32>} : memref<128x32xf32, #tpu.memory_space<vmem>>, vector<16xf32>,
    tpu.vector_store %arg6[%swap3A_48, %swap3A_49], %broadcast_in_dim3A_3 {strides = array<i32>} : memref<128x32xf32, #tpu.memory_space<vmem>>, vector<16xf32>,
    %swap3A_51 = arith.constant 6 : i32
    %swap3A_52 = arith.index_cast %swap3A_51 : i32 to index
    %swap3A_53 = arith.constant 0 : index
    %swap3A_54 = tpu.vector_load %arg6[%swap3A_52, %swap3A_53] {strides = array<i32>} : memref<128x32xf32, #tpu.memory_space<vmem>>, vector<16xf32>,
    tpu.vector_store %arg6[%swap3A_52, %swap3A_53], %broadcast_in_dim3A_3 {strides = array<i32>} : memref<128x32xf32, #tpu.memory_space<vmem>>, vector<16xf32>,
    %swap3A_55 = arith.constant 6 : i32
    %swap3A_56 = arith.index_cast %swap3A_55 : i32 to index
    %swap3A_57 = arith.constant 16 : index
    %swap3A_58 = tpu.vector_load %arg6[%swap3A_56, %swap3A_57] {strides = array<i32>} : memref<128x32xf32, #tpu.memory_space<vmem>>, vector<16xf32>,
    tpu.vector_store %arg6[%swap3A_56, %swap3A_57], %broadcast_in_dim3A_3 {strides = array<i32>} : memref<128x32xf32, #tpu.memory_space<vmem>>, vector<16xf32>,
    %swap3A_59 = arith.constant 7 : i32
    %swap3A_60 = arith.index_cast %swap3A_59 : i32 to index
    %swap3A_61 = arith.constant 0 : index
    %swap3A_62 = tpu.vector_load %arg6[%swap3A_60, %swap3A_61] {strides = array<i32>} : memref<128x32xf32, #tpu.memory_space<vmem>>, vector<16xf32>,
    tpu.vector_store %arg6[%swap3A_60, %swap3A_61], %broadcast_in_dim3A_3 {strides = array<i32>} : memref<128x32xf32, #tpu.memory_space<vmem>>, vector<16xf32>,
    %swap3A_63 = arith.constant 7 : i32
    %swap3A_64 = arith.index_cast %swap3A_63 : i32 to index
    %swap3A_65 = arith.constant 16 : index
    %swap3A_66 = tpu.vector_load %arg6[%swap3A_64, %swap3A_65] {strides = array<i32>} : memref<128x32xf32, #tpu.memory_space<vmem>>, vector<16xf32>,
    tpu.vector_store %arg6[%swap3A_64, %swap3A_65], %broadcast_in_dim3A_3 {strides = array<i32>} : memref<128x32xf32, #tpu.memory_space<vmem>>, vector<16xf32>,
    %swap3A_67 = arith.constant 8 : i32
    %swap3A_68 = arith.index_cast %swap3A_67 : i32 to index
    %swap3A_69 = arith.constant 0 : index
    %swap3A_70 = tpu.vector_load %arg6[%swap3A_68, %swap3A_69] {strides = array<i32>} : memref<128x32xf32, #tpu.memory_space<vmem>>, vector<16xf32>,
    tpu.vector_store %arg6[%swap3A_68, %swap3A_69], %broadcast_in_dim3A_3 {strides = array<i32>} : memref<128x32xf32, #tpu.memory_space<vmem>>, vector<16xf32>,
    %swap3A_71 = arith.constant 8 : i32
    %swap3A_72 = arith.index_cast %swap3A_71 : i32 to index
    %swap3A_73 = arith.constant 16 : index
    %swap3A_74 = tpu.vector_load %arg6[%swap3A_72, %swap3A_73] {strides = array<i32>} : memref<128x32xf32, #tpu.memory_space<vmem>>, vector<16xf32>,
    tpu.vector_store %arg6[%swap3A_72, %swap3A_73], %broadcast_in_dim3A_3 {strides = array<i32>} : memref<128x32xf32, #tpu.memory_space<vmem>>, vector<16xf32>,
    %swap3A_75 = arith.constant 9 : i32
    %swap3A_76 = arith.index_cast %swap3A_75 : i32 to index
    %swap3A_77 = arith.constant 0 : index
    %swap3A_78 = tpu.vector_load %arg6[%swap3A_76, %swap3A_77] {strides = array<i32>} : memref<128x32xf32, #tpu.memory_space<vmem>>, vector<16xf32>,
    tpu.vector_store %arg6[%swap3A_76, %swap3A_77], %broadcast_in_dim3A_3 {strides = array<i32>} : memref<128x32xf32, #tpu.memory_space<vmem>>, vector<16xf32>,
    %swap3A_79 = arith.constant 9 : i32
    %swap3A_80 = arith.index_cast %swap3A_79 : i32 to index
    %swap3A_81 = arith.constant 16 : index
    %swap3A_82 = tpu.vector_load %arg6[%swap3A_80, %swap3A_81] {strides = array<i32>} : memref<128x32xf32, #tpu.memory_space<vmem>>, vector<16xf32>,
    tpu.vector_store %arg6[%swap3A_80, %swap3A_81], %broadcast_in_dim3A_3 {strides = array<i32>} : memref<128x32xf32, #tpu.memory_space<vmem>>, vector<16xf32>,
    %swap3A_83 = arith.constant 10 : i32
    %swap3A_84 = arith.index_cast %swap3A_83 : i32 to index
    %swap3A_85 = arith.constant 0 : index
    %swap3A_86 = tpu.vector_load %arg6[%swap3A_84, %swap3A_85] {strides = array<i32>} : memref<128x32xf32, #tpu.memory_space<vmem>>, vector<16xf32>,
    tpu.vector_store %arg6[%swap3A_84, %swap3A_85], %broadcast_in_dim3A_3 {strides = array<i32>} : memref<128x32xf32, #tpu.memory_space<vmem>>, vector<16xf32>,
    %swap3A_87 = arith.constant 10 : i32
    %swap3A_88 = arith.index_cast %swap3A_87 : i32 to index
    %swap3A_89 = arith.constant 16 : index
    %swap3A_90 = tpu.vector_load %arg6[%swap3A_88, %swap3A_89] {strides = array<i32>} : memref<128x32xf32, #tpu.memory_space<vmem>>, vector<16xf32>,
    tpu.vector_store %arg6[%swap3A_88, %swap3A_89], %broadcast_in_dim3A_3 {strides = array<i32>} : memref<128x32xf32, #tpu.memory_space<vmem>>, vector<16xf32>,
    %swap3A_91 = arith.constant 11 : i32
    %swap3A_92 = arith.index_cast %swap3A_91 : i32 to index
    %swap3A_93 = arith.constant 0 : index
    %swap3A_94 = tpu.vector_load %arg6[%swap3A_92, %swap3A_93] {strides = array<i32>} : memref<128x32xf32, #tpu.memory_space<vmem>>, vector<16xf32>,
    tpu.vector_store %arg6[%swap3A_92, %swap3A_93], %broadcast_in_dim3A_3 {strides = array<i32>} : memref<128x32xf32, #tpu.memory_space<vmem>>, vector<16xf32>,
    %swap3A_95 = arith.constant 11 : i32
    %swap3A_96 = arith.index_cast %swap3A_95 : i32 to index
    %swap3A_97 = arith.constant 16 : index
    %swap3A_98 = tpu.vector_load %arg6[%swap3A_96, %swap3A_97] {strides = array<i32>} : memref<128x32xf32, #tpu.memory_space<vmem>>, vector<16xf32>,
    tpu.vector_store %arg6[%swap3A_96, %swap3A_97], %broadcast_in_dim3A_3 {strides = array<i32>} : memref<128x32xf32, #tpu.memory_space<vmem>>, vector<16xf32>,
    %swap3A_99 = arith.constant 12 : i32
    %swap3A_100 = arith.index_cast %swap3A_99 : i32 to index
    %swap3A_101 = arith.constant 0 : index
    %swap3A_102 = tpu.vector_load %arg6[%swap3A_100, %swap3A_101] {strides = array<i32>} : memref<128x32xf32, #tpu.memory_space<vmem>>, vector<16xf32>,
    tpu.vector_store %arg6[%swap3A_100, %swap3A_101], %broadcast_in_dim3A_3 {strides = array<i32>} : memref<128x32xf32, #tpu.memory_space<vmem>>, vector<16xf32>,
    %swap3A_103 = arith.constant 12 : i32
    %swap3A_104 = arith.index_cast %swap3A_103 : i32 to index
    %swap3A_105 = arith.constant 16 : index
    %swap3A_106 = tpu.vector_load %arg6[%swap3A_104, %swap3A_105] {strides = array<i32>} : memref<128x32xf32, #tpu.memory_space<vmem>>, vector<16xf32>,
    tpu.vector_store %arg6[%swap3A_104, %swap3A_105], %broadcast_in_dim3A_3 {strides = array<i32>} : memref<128x32xf32, #tpu.memory_space<vmem>>, vector<16xf32>,
    %swap3A_107 = arith.constant 13 : i32
    %swap3A_108 = arith.index_cast %swap3A_107 : i32 to index
    %swap3A_109 = arith.constant 0 : index
    %swap3A_110 = tpu.vector_load %arg6[%swap3A_108, %swap3A_109] {strides = array<i32>} : memref<128x32xf32, #tpu.memory_space<vmem>>, vector<16xf32>,
    tpu.vector_store %arg6[%swap3A_108, %swap3A_109], %broadcast_in_dim3A_3 {strides = array<i32>} : memref<128x32xf32, #tpu.memory_space<vmem>>, vector<16xf32>,
    %swap3A_111 = arith.constant 13 : i32
    %swap3A_112 = arith.index_cast %swap3A_111 : i32 to index
    %swap3A_113 = arith.constant 16 : index
    %swap3A_114 = tpu.vector_load %arg6[%swap3A_112, %swap3A_113] {strides = array<i32>} : memref<128x32xf32, #tpu.memory_space<vmem>>, vector<16xf32>,
    tpu.vector_store %arg6[%swap3A_112, %swap3A_113], %broadcast_in_dim3A_3 {strides = array<i32>} : memref<128x32xf32, #tpu.memory_space<vmem>>, vector<16xf32>,
    %swap3A_115 = arith.constant 14 : i32
    %swap3A_116 = arith.index_cast %swap3A_115 : i32 to index
    %swap3A_117 = arith.constant 0 : index
    %swap3A_118 = tpu.vector_load %arg6[%swap3A_116, %swap3A_117] {strides = array<i32>} : memref<128x32xf32, #tpu.memory_space<vmem>>, vector<16xf32>,
    tpu.vector_store %arg6[%swap3A_116, %swap3A_117], %broadcast_in_dim3A_3 {strides = array<i32>} : memref<128x32xf32, #tpu.memory_space<vmem>>, vector<16xf32>,
    %swap3A_119 = arith.constant 14 : i32
    %swap3A_120 = arith.index_cast %swap3A_119 : i32 to index
    %swap3A_121 = arith.constant 16 : index
    %swap3A_122 = tpu.vector_load %arg6[%swap3A_120, %swap3A_121] {strides = array<i32>} : memref<128x32xf32, #tpu.memory_space<vmem>>, vector<16xf32>,
    tpu.vector_store %arg6[%swap3A_120, %swap3A_121], %broadcast_in_dim3A_3 {strides = array<i32>} : memref<128x32xf32, #tpu.memory_space<vmem>>, vector<16xf32>,
    %swap3A_123 = arith.constant 15 : i32
    %swap3A_124 = arith.index_cast %swap3A_123 : i32 to index
    %swap3A_125 = arith.constant 0 : index
    %swap3A_126 = tpu.vector_load %arg6[%swap3A_124, %swap3A_125] {strides = array<i32>} : memref<128x32xf32, #tpu.memory_space<vmem>>, vector<16xf32>,
    tpu.vector_store %arg6[%swap3A_124, %swap3A_125], %broadcast_in_dim3A_3 {strides = array<i32>} : memref<128x32xf32, #tpu.memory_space<vmem>>, vector<16xf32>,
    %swap3A_127 = arith.constant 15 : i32
    %swap3A_128 = arith.index_cast %swap3A_127 : i32 to index
    %swap3A_129 = arith.constant 16 : index
    %swap3A_130 = tpu.vector_load %arg6[%swap3A_128, %swap3A_129] {strides = array<i32>} : memref<128x32xf32, #tpu.memory_space<vmem>>, vector<16xf32>,
    tpu.vector_store %arg6[%swap3A_128, %swap3A_129], %broadcast_in_dim3A_3 {strides = array<i32>} : memref<128x32xf32, #tpu.memory_space<vmem>>, vector<16xf32>,
    %swap3A_131 = arith.constant 16 : i32
    %swap3A_132 = arith.index_cast %swap3A_131 : i32 to index
    %swap3A_133 = arith.constant 0 : index
    %swap3A_134 = tpu.vector_load %arg6[%swap3A_132, %swap3A_133] {strides = array<i32>} : memref<128x32xf32, #tpu.memory_space<vmem>>, vector<16xf32>,
    tpu.vector_store %arg6[%swap3A_132, %swap3A_133], %broadcast_in_dim3A_3 {strides = array<i32>} : memref<128x32xf32, #tpu.memory_space<vmem>>, vector<16xf32>,
    %swap3A_135 = arith.constant 16 : i32
    %swap3A_136 = arith.index_cast %swap3A_135 : i32 to index
    %swap3A_137 = arith.constant 16 : index
    %swap3A_138 = tpu.vector_load %arg6[%swap3A_136, %swap3A_137] {strides = array<i32>} : memref<128x32xf32, #tpu.memory_space<vmem>>, vector<16xf32>,
    tpu.vector_store %arg6[%swap3A_136, %swap3A_137], %broadcast_in_dim3A_3 {strides = array<i32>} : memref<128x32xf32, #tpu.memory_space<vmem>>, vector<16xf32>,
    %swap3A_139 = arith.constant 17 : i32
    %swap3A_140 = arith.index_cast %swap3A_139 : i32 to index
    %swap3A_141 = arith.constant 0 : index
    %swap3A_142 = tpu.vector_load %arg6[%swap3A_140, %swap3A_141] {strides = array<i32>} : memref<128x32xf32, #tpu.memory_space<vmem>>, vector<16xf32>,
    tpu.vector_store %arg6[%swap3A_140, %swap3A_141], %broadcast_in_dim3A_3 {strides = array<i32>} : memref<128x32xf32, #tpu.memory_space<vmem>>, vector<16xf32>,
    %swap3A_143 = arith.constant 17 : i32
    %swap3A_144 = arith.index_cast %swap3A_143 : i32 to index
    %swap3A_145 = arith.constant 16 : index
    %swap3A_146 = tpu.vector_load %arg6[%swap3A_144, %swap3A_145] {strides = array<i32>} : memref<128x32xf32, #tpu.memory_space<vmem>>, vector<16xf32>,
    tpu.vector_store %arg6[%swap3A_144, %swap3A_145], %broadcast_in_dim3A_3 {strides = array<i32>} : memref<128x32xf32, #tpu.memory_space<vmem>>, vector<16xf32>,
    %swap3A_147 = arith.constant 18 : i32
    %swap3A_148 = arith.index_cast %swap3A_147 : i32 to index
    %swap3A_149 = arith.constant 0 : index
    %swap3A_150 = tpu.vector_load %arg6[%swap3A_148, %swap3A_149] {strides = array<i32>} : memref<128x32xf32, #tpu.memory_space<vmem>>, vector<16xf32>,
    tpu.vector_store %arg6[%swap3A_148, %swap3A_149], %broadcast_in_dim3A_3 {strides = array<i32>} : memref<128x32xf32, #tpu.memory_space<vmem>>, vector<16xf32>,
    %swap3A_151 = arith.constant 18 : i32
    %swap3A_152 = arith.index_cast %swap3A_151 : i32 to index
    %swap3A_153 = arith.constant 16 : index
    %swap3A_154 = tpu.vector_load %arg6[%swap3A_152, %swap3A_153] {strides = array<i32>} : memref<128x32xf32, #tpu.memory_space<vmem>>, vector<16xf32>,
    tpu.vector_store %arg6[%swap3A_152, %swap3A_153], %broadcast_in_dim3A_3 {strides = array<i32>} : memref<128x32xf32, #tpu.memory_space<vmem>>, vector<16xf32>,
    %swap3A_155 = arith.constant 19 : i32
    %swap3A_156 = arith.index_cast %swap3A_155 : i32 to index
    %swap3A_157 = arith.constant 0 : index
    %swap3A_158 = tpu.vector_load %arg6[%swap3A_156, %swap3A_157] {strides = array<i32>} : memref<128x32xf32, #tpu.memory_space<vmem>>, vector<16xf32>,
    tpu.vector_store %arg6[%swap3A_156, %swap3A_157], %broadcast_in_dim3A_3 {strides = array<i32>} : memref<128x32xf32, #tpu.memory_space<vmem>>, vector<16xf32>,
    %swap3A_159 = arith.constant 19 : i32
    %swap3A_160 = arith.index_cast %swap3A_159 : i32 to index
    %swap3A_161 = arith.constant 16 : index
    %swap3A_162 = tpu.vector_load %arg6[%swap3A_160, %swap3A_161] {strides = array<i32>} : memref<128x32xf32, #tpu.memory_space<vmem>>, vector<16xf32>,
    tpu.vector_store %arg6[%swap3A_160, %swap3A_161], %broadcast_in_dim3A_3 {strides = array<i32>} : memref<128x32xf32, #tpu.memory_space<vmem>>, vector<16xf32>,
    %swap3A_163 = arith.constant 20 : i32
    %swap3A_164 = arith.index_cast %swap3A_163 : i32 to index
    %swap3A_165 = arith.constant 0 : index
    %swap3A_166 = tpu.vector_load %arg6[%swap3A_164, %swap3A_165] {strides = array<i32>} : memref<128x32xf32, #tpu.memory_space<vmem>>, vector<16xf32>,
    tpu.vector_store %arg6[%swap3A_164, %swap3A_165], %broadcast_in_dim3A_3 {strides = array<i32>} : memref<128x32xf32, #tpu.memory_space<vmem>>, vector<16xf32>,
    %swap3A_167 = arith.constant 20 : i32
    %swap3A_168 = arith.index_cast %swap3A_167 : i32 to index
    %swap3A_169 = arith.constant 16 : index
    %swap3A_170 = tpu.vector_load %arg6[%swap3A_168, %swap3A_169] {strides = array<i32>} : memref<128x32xf32, #tpu.memory_space<vmem>>, vector<16xf32>,
    tpu.vector_store %arg6[%swap3A_168, %swap3A_169], %broadcast_in_dim3A_3 {strides = array<i32>} : memref<128x32xf32, #tpu.memory_space<vmem>>, vector<16xf32>,
    %swap3A_171 = arith.constant 21 : i32
    %swap3A_172 = arith.index_cast %swap3A_171 : i32 to index
    %swap3A_173 = arith.constant 0 : index
    %swap3A_174 = tpu.vector_load %arg6[%swap3A_172, %swap3A_173] {strides = array<i32>} : memref<128x32xf32, #tpu.memory_space<vmem>>, vector<16xf32>,
    tpu.vector_store %arg6[%swap3A_172, %swap3A_173], %broadcast_in_dim3A_3 {strides = array<i32>} : memref<128x32xf32, #tpu.memory_space<vmem>>, vector<16xf32>,
    %swap3A_175 = arith.constant 21 : i32
    %swap3A_176 = arith.index_cast %swap3A_175 : i32 to index
    %swap3A_177 = arith.constant 16 : index
    %swap3A_178 = tpu.vector_load %arg6[%swap3A_176, %swap3A_177] {strides = array<i32>} : memref<128x32xf32, #tpu.memory_space<vmem>>, vector<16xf32>,
    tpu.vector_store %arg6[%swap3A_176, %swap3A_177], %broadcast_in_dim3A_3 {strides = array<i32>} : memref<128x32xf32, #tpu.memory_space<vmem>>, vector<16xf32>,
    %swap3A_179 = arith.constant 22 : i32
    %swap3A_180 = arith.index_cast %swap3A_179 : i32 to index
    %swap3A_181 = arith.constant 0 : index
    %swap3A_182 = tpu.vector_load %arg6[%swap3A_180, %swap3A_181] {strides = array<i32>} : memref<128x32xf32, #tpu.memory_space<vmem>>, vector<16xf32>,
    tpu.vector_store %arg6[%swap3A_180, %swap3A_181], %broadcast_in_dim3A_3 {strides = array<i32>} : memref<128x32xf32, #tpu.memory_space<vmem>>, vector<16xf32>,
    %swap3A_183 = arith.constant 22 : i32
    %swap3A_184 = arith.index_cast %swap3A_183 : i32 to index
    %swap3A_185 = arith.constant 16 : index
    %swap3A_186 = tpu.vector_load %arg6[%swap3A_184, %swap3A_185] {strides = array<i32>} : memref<128x32xf32, #tpu.memory_space<vmem>>, vector<16xf32>,
    tpu.vector_store %arg6[%swap3A_184, %swap3A_185], %broadcast_in_dim3A_3 {strides = array<i32>} : memref<128x32xf32, #tpu.memory_space<vmem>>, vector<16xf32>,
    %swap3A_187 = arith.constant 23 : i32
    %swap3A_188 = arith.index_cast %swap3A_187 : i32 to index
    %swap3A_189 = arith.constant 0 : index
    %swap3A_190 = tpu.vector_load %arg6[%swap3A_188, %swap3A_189] {strides = array<i32>} : memref<128x32xf32, #tpu.memory_space<vmem>>, vector<16xf32>,
    tpu.vector_store %arg6[%swap3A_188, %swap3A_189], %broadcast_in_dim3A_3 {strides = array<i32>} : memref<128x32xf32, #tpu.memory_space<vmem>>, vector<16xf32>,
    %swap3A_191 = arith.constant 23 : i32
    %swap3A_192 = arith.index_cast %swap3A_191 : i32 to index
    %swap3A_193 = arith.constant 16 : index
    %swap3A_194 = tpu.vector_load %arg6[%swap3A_192, %swap3A_193] {strides = array<i32>} : memref<128x32xf32, #tpu.memory_space<vmem>>, vector<16xf32>,
    tpu.vector_store %arg6[%swap3A_192, %swap3A_193], %broadcast_in_dim3A_3 {strides = array<i32>} : memref<128x32xf32, #tpu.memory_space<vmem>>, vector<16xf32>,
    %swap3A_195 = arith.constant 24 : i32
    %swap3A_196 = arith.index_cast %swap3A_195 : i32 to index
    %swap3A_197 = arith.constant 0 : index
    %swap3A_198 = tpu.vector_load %arg6[%swap3A_196, %swap3A_197] {strides = array<i32>} : memref<128x32xf32, #tpu.memory_space<vmem>>, vector<16xf32>,
    tpu.vector_store %arg6[%swap3A_196, %swap3A_197], %broadcast_in_dim3A_3 {strides = array<i32>} : memref<128x32xf32, #tpu.memory_space<vmem>>, vector<16xf32>,
    %swap3A_199 = arith.constant 24 : i32
    %swap3A_200 = arith.index_cast %swap3A_199 : i32 to index
    %swap3A_201 = arith.constant 16 : index
    %swap3A_202 = tpu.vector_load %arg6[%swap3A_200, %swap3A_201] {strides = array<i32>} : memref<128x32xf32, #tpu.memory_space<vmem>>, vector<16xf32>,
    tpu.vector_store %arg6[%swap3A_200, %swap3A_201], %broadcast_in_dim3A_3 {strides = array<i32>} : memref<128x32xf32, #tpu.memory_space<vmem>>, vector<16xf32>,
    %swap3A_203 = arith.constant 25 : i32
    %swap3A_204 = arith.index_cast %swap3A_203 : i32 to index
    %swap3A_205 = arith.constant 0 : index
    %swap3A_206 = tpu.vector_load %arg6[%swap3A_204, %swap3A_205] {strides = array<i32>} : memref<128x32xf32, #tpu.memory_space<vmem>>, vector<16xf32>,
    tpu.vector_store %arg6[%swap3A_204, %swap3A_205], %broadcast_in_dim3A_3 {strides = array<i32>} : memref<128x32xf32, #tpu.memory_space<vmem>>, vector<16xf32>,
    %swap3A_207 = arith.constant 25 : i32
    %swap3A_208 = arith.index_cast %swap3A_207 : i32 to index
    %swap3A_209 = arith.constant 16 : index
    %swap3A_210 = tpu.vector_load %arg6[%swap3A_208, %swap3A_209] {strides = array<i32>} : memref<128x32xf32, #tpu.memory_space<vmem>>, vector<16xf32>,
    tpu.vector_store %arg6[%swap3A_208, %swap3A_209], %broadcast_in_dim3A_3 {strides = array<i32>} : memref<128x32xf32, #tpu.memory_space<vmem>>, vector<16xf32>,
    %swap3A_211 = arith.constant 26 : i32
    %swap3A_212 = arith.index_cast %swap3A_211 : i32 to index
    %swap3A_213 = arith.constant 0 : index
    %swap3A_214 = tpu.vector_load %arg6[%swap3A_212, %swap3A_213] {strides = array<i32>} : memref<128x32xf32, #tpu.memory_space<vmem>>, vector<16xf32>,
    tpu.vector_store %arg6[%swap3A_212, %swap3A_213], %broadcast_in_dim3A_3 {strides = array<i32>} : memref<128x32xf32, #tpu.memory_space<vmem>>, vector<16xf32>,
    %swap3A_215 = arith.constant 26 : i32
    %swap3A_216 = arith.index_cast %swap3A_215 : i32 to index
    %swap3A_217 = arith.constant 16 : index
    %swap3A_218 = tpu.vector_load %arg6[%swap3A_216, %swap3A_217] {strides = array<i32>} : memref<128x32xf32, #tpu.memory_space<vmem>>, vector<16xf32>,
    tpu.vector_store %arg6[%swap3A_216, %swap3A_217], %broadcast_in_dim3A_3 {strides = array<i32>} : memref<128x32xf32, #tpu.memory_space<vmem>>, vector<16xf32>,
    %swap3A_219 = arith.constant 27 : i32
    %swap3A_220 = arith.index_cast %swap3A_219 : i32 to index
    %swap3A_221 = arith.constant 0 : index
    %swap3A_222 = tpu.vector_load %arg6[%swap3A_220, %swap3A_221] {strides = array<i32>} : memref<128x32xf32, #tpu.memory_space<vmem>>, vector<16xf32>,
    tpu.vector_store %arg6[%swap3A_220, %swap3A_221], %broadcast_in_dim3A_3 {strides = array<i32>} : memref<128x32xf32, #tpu.memory_space<vmem>>, vector<16xf32>,
    %swap3A_223 = arith.constant 27 : i32
    %swap3A_224 = arith.index_cast %swap3A_223 : i32 to index
    %swap3A_225 = arith.constant 16 : index
    %swap3A_226 = tpu.vector_load %arg6[%swap3A_224, %swap3A_225] {strides = array<i32>} : memref<128x32xf32, #tpu.memory_space<vmem>>, vector<16xf32>,
    tpu.vector_store %arg6[%swap3A_224, %swap3A_225], %broadcast_in_dim3A_3 {strides = array<i32>} : memref<128x32xf32, #tpu.memory_space<vmem>>, vector<16xf32>,
    %swap3A_227 = arith.constant 28 : i32
    %swap3A_228 = arith.index_cast %swap3A_227 : i32 to index
    %swap3A_229 = arith.constant 0 : index
    %swap3A_230 = tpu.vector_load %arg6[%swap3A_228, %swap3A_229] {strides = array<i32>} : memref<128x32xf32, #tpu.memory_space<vmem>>, vector<16xf32>,
    tpu.vector_store %arg6[%swap3A_228, %swap3A_229], %broadcast_in_dim3A_3 {strides = array<i32>} : memref<128x32xf32, #tpu.memory_space<vmem>>, vector<16xf32>,
    %swap3A_231 = arith.constant 28 : i32
    %swap3A_232 = arith.index_cast %swap3A_231 : i32 to index
    %swap3A_233 = arith.constant 16 : index
    %swap3A_234 = tpu.vector_load %arg6[%swap3A_232, %swap3A_233] {strides = array<i32>} : memref<128x32xf32, #tpu.memory_space<vmem>>, vector<16xf32>,
    tpu.vector_store %arg6[%swap3A_232, %swap3A_233], %broadcast_in_dim3A_3 {strides = array<i32>} : memref<128x32xf32, #tpu.memory_space<vmem>>, vector<16xf32>,
    %swap3A_235 = arith.constant 29 : i32
    %swap3A_236 = arith.index_cast %swap3A_235 : i32 to index
    %swap3A_237 = arith.constant 0 : index
    %swap3A_238 = tpu.vector_load %arg6[%swap3A_236, %swap3A_237] {strides = array<i32>} : memref<128x32xf32, #tpu.memory_space<vmem>>, vector<16xf32>,
    tpu.vector_store %arg6[%swap3A_236, %swap3A_237], %broadcast_in_dim3A_3 {strides = array<i32>} : memref<128x32xf32, #tpu.memory_space<vmem>>, vector<16xf32>,
    %swap3A_239 = arith.constant 29 : i32
    %swap3A_240 = arith.index_cast %swap3A_239 : i32 to index
    %swap3A_241 = arith.constant 16 : index
    %swap3A_242 = tpu.vector_load %arg6[%swap3A_240, %swap3A_241] {strides = array<i32>} : memref<128x32xf32, #tpu.memory_space<vmem>>, vector<16xf32>,
    tpu.vector_store %arg6[%swap3A_240, %swap3A_241], %broadcast_in_dim3A_3 {strides = array<i32>} : memref<128x32xf32, #tpu.memory_space<vmem>>, vector<16xf32>,
    %swap3A_243 = arith.constant 30 : i32
    %swap3A_244 = arith.index_cast %swap3A_243 : i32 to index
    %swap3A_245 = arith.constant 0 : index
    %swap3A_246 = tpu.vector_load %arg6[%swap3A_244, %swap3A_245] {strides = array<i32>} : memref<128x32xf32, #tpu.memory_space<vmem>>, vector<16xf32>,
    tpu.vector_store %arg6[%swap3A_244, %swap3A_245], %broadcast_in_dim3A_3 {strides = array<i32>} : memref<128x32xf32, #tpu.memory_space<vmem>>, vector<16xf32>,
    %swap3A_247 = arith.constant 30 : i32
    %swap3A_248 = arith.index_cast %swap3A_247 : i32 to index
    %swap3A_249 = arith.constant 16 : index
    %swap3A_250 = tpu.vector_load %arg6[%swap3A_248, %swap3A_249] {strides = array<i32>} : memref<128x32xf32, #tpu.memory_space<vmem>>, vector<16xf32>,
    tpu.vector_store %arg6[%swap3A_248, %swap3A_249], %broadcast_in_dim3A_3 {strides = array<i32>} : memref<128x32xf32, #tpu.memory_space<vmem>>, vector<16xf32>,
    %swap3A_251 = arith.constant 31 : i32
    %swap3A_252 = arith.index_cast %swap3A_251 : i32 to index
    %swap3A_253 = arith.constant 0 : index
    %swap3A_254 = tpu.vector_load %arg6[%swap3A_252, %swap3A_253] {strides = array<i32>} : memref<128x32xf32, #tpu.memory_space<vmem>>, vector<16xf32>,
    tpu.vector_store %arg6[%swap3A_252, %swap3A_253], %broadcast_in_dim3A_3 {strides = array<i32>} : memref<128x32xf32, #tpu.memory_space<vmem>>, vector<16xf32>,
    %swap3A_255 = arith.constant 31 : i32
    %swap3A_256 = arith.index_cast %swap3A_255 : i32 to index
    %swap3A_257 = arith.constant 16 : index
    %swap3A_258 = tpu.vector_load %arg6[%swap3A_256, %swap3A_257] {strides = array<i32>} : memref<128x32xf32, #tpu.memory_space<vmem>>, vector<16xf32>,
    tpu.vector_store %arg6[%swap3A_256, %swap3A_257], %broadcast_in_dim3A_3 {strides = array<i32>} : memref<128x32xf32, #tpu.memory_space<vmem>>, vector<16xf32>,
    %swap3A_259 = arith.constant 32 : i32
    %swap3A_260 = arith.index_cast %swap3A_259 : i32 to index
    %swap3A_261 = arith.constant 0 : index
    %swap3A_262 = tpu.vector_load %arg6[%swap3A_260, %swap3A_261] {strides = array<i32>} : memref<128x32xf32, #tpu.memory_space<vmem>>, vector<16xf32>,
    tpu.vector_store %arg6[%swap3A_260, %swap3A_261], %broadcast_in_dim3A_3 {strides = array<i32>} : memref<128x32xf32, #tpu.memory_space<vmem>>, vector<16xf32>,
    %swap3A_263 = arith.constant 32 : i32
    %swap3A_264 = arith.index_cast %swap3A_263 : i32 to index
    %swap3A_265 = arith.constant 16 : index
    %swap3A_266 = tpu.vector_load %arg6[%swap3A_264, %swap3A_265] {strides = array<i32>} : memref<128x32xf32, #tpu.memory_space<vmem>>, vector<16xf32>,
    tpu.vector_store %arg6[%swap3A_264, %swap3A_265], %broadcast_in_dim3A_3 {strides = array<i32>} : memref<128x32xf32, #tpu.memory_space<vmem>>, vector<16xf32>,
    %swap3A_267 = arith.constant 33 : i32
    %swap3A_268 = arith.index_cast %swap3A_267 : i32 to index
    %swap3A_269 = arith.constant 0 : index
    %swap3A_270 = tpu.vector_load %arg6[%swap3A_268, %swap3A_269] {strides = array<i32>} : memref<128x32xf32, #tpu.memory_space<vmem>>, vector<16xf32>,
    tpu.vector_store %arg6[%swap3A_268, %swap3A_269], %broadcast_in_dim3A_3 {strides = array<i32>} : memref<128x32xf32, #tpu.memory_space<vmem>>, vector<16xf32>,
    %swap3A_271 = arith.constant 33 : i32
    %swap3A_272 = arith.index_cast %swap3A_271 : i32 to index
    %swap3A_273 = arith.constant 16 : index
    %swap3A_274 = tpu.vector_load %arg6[%swap3A_272, %swap3A_273] {strides = array<i32>} : memref<128x32xf32, #tpu.memory_space<vmem>>, vector<16xf32>,
    tpu.vector_store %arg6[%swap3A_272, %swap3A_273], %broadcast_in_dim3A_3 {strides = array<i32>} : memref<128x32xf32, #tpu.memory_space<vmem>>, vector<16xf32>,
    %swap3A_275 = arith.constant 34 : i32
    %swap3A_276 = arith.index_cast %swap3A_275 : i32 to index
    %swap3A_277 = arith.constant 0 : index
    %swap3A_278 = tpu.vector_load %arg6[%swap3A_276, %swap3A_277] {strides = array<i32>} : memref<128x32xf32, #tpu.memory_space<vmem>>, vector<16xf32>,
    tpu.vector_store %arg6[%swap3A_276, %swap3A_277], %broadcast_in_dim3A_3 {strides = array<i32>} : memref<128x32xf32, #tpu.memory_space<vmem>>, vector<16xf32>,
    %swap3A_279 = arith.constant 34 : i32
    %swap3A_280 = arith.index_cast %swap3A_279 : i32 to index
    %swap3A_281 = arith.constant 16 : index
    %swap3A_282 = tpu.vector_load %arg6[%swap3A_280, %swap3A_281] {strides = array<i32>} : memref<128x32xf32, #tpu.memory_space<vmem>>, vector<16xf32>,
    tpu.vector_store %arg6[%swap3A_280, %swap3A_281], %broadcast_in_dim3A_3 {strides = array<i32>} : memref<128x32xf32, #tpu.memory_space<vmem>>, vector<16xf32>,
    %swap3A_283 = arith.constant 35 : i32
    %swap3A_284 = arith.index_cast %swap3A_283 : i32 to index
    %swap3A_285 = arith.constant 0 : index
    %swap3A_286 = tpu.vector_load %arg6[%swap3A_284, %swap3A_285] {strides = array<i32>} : memref<128x32xf32, #tpu.memory_space<vmem>>, vector<16xf32>,
    tpu.vector_store %arg6[%swap3A_284, %swap3A_285], %broadcast_in_dim3A_3 {strides = array<i32>} : memref<128x32xf32, #tpu.memory_space<vmem>>, vector<16xf32>,
    %swap3A_287 = arith.constant 35 : i32
    %swap3A_288 = arith.index_cast %swap3A_287 : i32 to index
    %swap3A_289 = arith.constant 16 : index
    %swap3A_290 = tpu.vector_load %arg6[%swap3A_288, %swap3A_289] {strides = array<i32>} : memref<128x32xf32, #tpu.memory_space<vmem>>, vector<16xf32>,
    tpu.vector_store %arg6[%swap3A_288, %swap3A_289], %broadcast_in_dim3A_3 {strides = array<i32>} : memref<128x32xf32, #tpu.memory_space<vmem>>, vector<16xf32>,
    %swap3A_291 = arith.constant 36 : i32
    %swap3A_292 = arith.index_cast %swap3A_291 : i32 to index
    %swap3A_293 = arith.constant 0 : index
    %swap3A_294 = tpu.vector_load %arg6[%swap3A_292, %swap3A_293] {strides = array<i32>} : memref<128x32xf32, #tpu.memory_space<vmem>>, vector<16xf32>,
    tpu.vector_store %arg6[%swap3A_292, %swap3A_293], %broadcast_in_dim3A_3 {strides = array<i32>} : memref<128x32xf32, #tpu.memory_space<vmem>>, vector<16xf32>,
    %swap3A_295 = arith.constant 36 : i32
    %swap3A_296 = arith.index_cast %swap3A_295 : i32 to index
    %swap3A_297 = arith.constant 16 : index
    %swap3A_298 = tpu.vector_load %arg6[%swap3A_296, %swap3A_297] {strides = array<i32>} : memref<128x32xf32, #tpu.memory_space<vmem>>, vector<16xf32>,
    tpu.vector_store %arg6[%swap3A_296, %swap3A_297], %broadcast_in_dim3A_3 {strides = array<i32>} : memref<128x32xf32, #tpu.memory_space<vmem>>, vector<16xf32>,
    %swap3A_299 = arith.constant 37 : i32
    %swap3A_300 = arith.index_cast %swap3A_299 : i32 to index
    %swap3A_301 = arith.constant 0 : index
    %swap3A_302 = tpu.vector_load %arg6[%swap3A_300, %swap3A_301] {strides = array<i32>} : memref<128x32xf32, #tpu.memory_space<vmem>>, vector<16xf32>,
    tpu.vector_store %arg6[%swap3A_300, %swap3A_301], %broadcast_in_dim3A_3 {strides = array<i32>} : memref<128x32xf32, #tpu.memory_space<vmem>>, vector<16xf32>,
    %swap3A_303 = arith.constant 37 : i32
    %swap3A_304 = arith.index_cast %swap3A_303 : i32 to index
    %swap3A_305 = arith.constant 16 : index
    %swap3A_306 = tpu.vector_load %arg6[%swap3A_304, %swap3A_305] {strides = array<i32>} : memref<128x32xf32, #tpu.memory_space<vmem>>, vector<16xf32>,
    tpu.vector_store %arg6[%swap3A_304, %swap3A_305], %broadcast_in_dim3A_3 {strides = array<i32>} : memref<128x32xf32, #tpu.memory_space<vmem>>, vector<16xf32>,
    %swap3A_307 = arith.constant 38 : i32
    %swap3A_308 = arith.index_cast %swap3A_307 : i32 to index
    %swap3A_309 = arith.constant 0 : index
    %swap3A_310 = tpu.vector_load %arg6[%swap3A_308, %swap3A_309] {strides = array<i32>} : memref<128x32xf32, #tpu.memory_space<vmem>>, vector<16xf32>,
    tpu.vector_store %arg6[%swap3A_308, %swap3A_309], %broadcast_in_dim3A_3 {strides = array<i32>} : memref<128x32xf32, #tpu.memory_space<vmem>>, vector<16xf32>,
    %swap3A_311 = arith.constant 38 : i32
    %swap3A_312 = arith.index_cast %swap3A_311 : i32 to index
    %swap3A_313 = arith.constant 16 : index
    %swap3A_314 = tpu.vector_load %arg6[%swap3A_312, %swap3A_313] {strides = array<i32>} : memref<128x32xf32, #tpu.memory_space<vmem>>, vector<16xf32>,
    tpu.vector_store %arg6[%swap3A_312, %swap3A_313], %broadcast_in_dim3A_3 {strides = array<i32>} : memref<128x32xf32, #tpu.memory_space<vmem>>, vector<16xf32>,
    %swap3A_315 = arith.constant 39 : i32
    %swap3A_316 = arith.index_cast %swap3A_315 : i32 to index
    %swap3A_317 = arith.constant 0 : index
    %swap3A_318 = tpu.vector_load %arg6[%swap3A_316, %swap3A_317] {strides = array<i32>} : memref<128x32xf32, #tpu.memory_space<vmem>>, vector<16xf32>,
    tpu.vector_store %arg6[%swap3A_316, %swap3A_317], %broadcast_in_dim3A_3 {strides = array<i32>} : memref<128x32xf32, #tpu.memory_space<vmem>>, vector<16xf32>,
    %swap3A_319 = arith.constant 39 : i32
    %swap3A_320 = arith.index_cast %swap3A_319 : i32 to index
    %swap3A_321 = arith.constant 16 : index
    %swap3A_322 = tpu.vector_load %arg6[%swap3A_320, %swap3A_321] {strides = array<i32>} : memref<128x32xf32, #tpu.memory_space<vmem>>, vector<16xf32>,
    tpu.vector_store %arg6[%swap3A_320, %swap3A_321], %broadcast_in_dim3A_3 {strides = array<i32>} : memref<128x32xf32, #tpu.memory_space<vmem>>, vector<16xf32>,
    %swap3A_323 = arith.constant 40 : i32
    %swap3A_324 = arith.index_cast %swap3A_323 : i32 to index
    %swap3A_325 = arith.constant 0 : index
    %swap3A_326 = tpu.vector_load %arg6[%swap3A_324, %swap3A_325] {strides = array<i32>} : memref<128x32xf32, #tpu.memory_space<vmem>>, vector<16xf32>,
    tpu.vector_store %arg6[%swap3A_324, %swap3A_325], %broadcast_in_dim3A_3 {strides = array<i32>} : memref<128x32xf32, #tpu.memory_space<vmem>>, vector<16xf32>,
    %swap3A_327 = arith.constant 40 : i32
    %swap3A_328 = arith.index_cast %swap3A_327 : i32 to index
    %swap3A_329 = arith.constant 16 : index
    %swap3A_330 = tpu.vector_load %arg6[%swap3A_328, %swap3A_329] {strides = array<i32>} : memref<128x32xf32, #tpu.memory_space<vmem>>, vector<16xf32>,
    tpu.vector_store %arg6[%swap3A_328, %swap3A_329], %broadcast_in_dim3A_3 {strides = array<i32>} : memref<128x32xf32, #tpu.memory_space<vmem>>, vector<16xf32>,
    %swap3A_331 = arith.constant 41 : i32
    %swap3A_332 = arith.index_cast %swap3A_331 : i32 to index
    %swap3A_333 = arith.constant 0 : index
    %swap3A_334 = tpu.vector_load %arg6[%swap3A_332, %swap3A_333] {strides = array<i32>} : memref<128x32xf32, #tpu.memory_space<vmem>>, vector<16xf32>,
    tpu.vector_store %arg6[%swap3A_332, %swap3A_333], %broadcast_in_dim3A_3 {strides = array<i32>} : memref<128x32xf32, #tpu.memory_space<vmem>>, vector<16xf32>,
    %swap3A_335 = arith.constant 41 : i32
    %swap3A_336 = arith.index_cast %swap3A_335 : i32 to index
    %swap3A_337 = arith.constant 16 : index
    %swap3A_338 = tpu.vector_load %arg6[%swap3A_336, %swap3A_337] {strides = array<i32>} : memref<128x32xf32, #tpu.memory_space<vmem>>, vector<16xf32>,
    tpu.vector_store %arg6[%swap3A_336, %swap3A_337], %broadcast_in_dim3A_3 {strides = array<i32>} : memref<128x32xf32, #tpu.memory_space<vmem>>, vector<16xf32>,
    %swap3A_339 = arith.constant 42 : i32
    %swap3A_340 = arith.index_cast %swap3A_339 : i32 to index
    %swap3A_341 = arith.constant 0 : index
    %swap3A_342 = tpu.vector_load %arg6[%swap3A_340, %swap3A_341] {strides = array<i32>} : memref<128x32xf32, #tpu.memory_space<vmem>>, vector<16xf32>,
    tpu.vector_store %arg6[%swap3A_340, %swap3A_341], %broadcast_in_dim3A_3 {strides = array<i32>} : memref<128x32xf32, #tpu.memory_space<vmem>>, vector<16xf32>,
    %swap3A_343 = arith.constant 42 : i32
    %swap3A_344 = arith.index_cast %swap3A_343 : i32 to index
    %swap3A_345 = arith.constant 16 : index
    %swap3A_346 = tpu.vector_load %arg6[%swap3A_344, %swap3A_345] {strides = array<i32>} : memref<128x32xf32, #tpu.memory_space<vmem>>, vector<16xf32>,
    tpu.vector_store %arg6[%swap3A_344, %swap3A_345], %broadcast_in_dim3A_3 {strides = array<i32>} : memref<128x32xf32, #tpu.memory_space<vmem>>, vector<16xf32>,
    %swap3A_347 = arith.constant 43 : i32
    %swap3A_348 = arith.index_cast %swap3A_347 : i32 to index
    %swap3A_349 = arith.constant 0 : index
    %swap3A_350 = tpu.vector_load %arg6[%swap3A_348, %swap3A_349] {strides = array<i32>} : memref<128x32xf32, #tpu.memory_space<vmem>>, vector<16xf32>,
    tpu.vector_store %arg6[%swap3A_348, %swap3A_349], %broadcast_in_dim3A_3 {strides = array<i32>} : memref<128x32xf32, #tpu.memory_space<vmem>>, vector<16xf32>,
    %swap3A_351 = arith.constant 43 : i32
    %swap3A_352 = arith.index_cast %swap3A_351 : i32 to index
    %swap3A_353 = arith.constant 16 : index
    %swap3A_354 = tpu.vector_load %arg6[%swap3A_352, %swap3A_353] {strides = array<i32>} : memref<128x32xf32, #tpu.memory_space<vmem>>, vector<16xf32>,
    tpu.vector_store %arg6[%swap3A_352, %swap3A_353], %broadcast_in_dim3A_3 {strides = array<i32>} : memref<128x32xf32, #tpu.memory_space<vmem>>, vector<16xf32>,
    %swap3A_355 = arith.constant 44 : i32
    %swap3A_356 = arith.index_cast %swap3A_355 : i32 to index
    %swap3A_357 = arith.constant 0 : index
    %swap3A_358 = tpu.vector_load %arg6[%swap3A_356, %swap3A_357] {strides = array<i32>} : memref<128x32xf32, #tpu.memory_space<vmem>>, vector<16xf32>,
    tpu.vector_store %arg6[%swap3A_356, %swap3A_357], %broadcast_in_dim3A_3 {strides = array<i32>} : memref<128x32xf32, #tpu.memory_space<vmem>>, vector<16xf32>,
    %swap3A_359 = arith.constant 44 : i32
    %swap3A_360 = arith.index_cast %swap3A_359 : i32 to index
    %swap3A_361 = arith.constant 16 : index
    %swap3A_362 = tpu.vector_load %arg6[%swap3A_360, %swap3A_361] {strides = array<i32>} : memref<128x32xf32, #tpu.memory_space<vmem>>, vector<16xf32>,
    tpu.vector_store %arg6[%swap3A_360, %swap3A_361], %broadcast_in_dim3A_3 {strides = array<i32>} : memref<128x32xf32, #tpu.memory_space<vmem>>, vector<16xf32>,
    %swap3A_363 = arith.constant 45 : i32
    %swap3A_364 = arith.index_cast %swap3A_363 : i32 to index
    %swap3A_365 = arith.constant 0 : index
    %swap3A_366 = tpu.vector_load %arg6[%swap3A_364, %swap3A_365] {strides = array<i32>} : memref<128x32xf32, #tpu.memory_space<vmem>>, vector<16xf32>,
    tpu.vector_store %arg6[%swap3A_364, %swap3A_365], %broadcast_in_dim3A_3 {strides = array<i32>} : memref<128x32xf32, #tpu.memory_space<vmem>>, vector<16xf32>,
    %swap3A_367 = arith.constant 45 : i32
    %swap3A_368 = arith.index_cast %swap3A_367 : i32 to index
    %swap3A_369 = arith.constant 16 : index
    %swap3A_370 = tpu.vector_load %arg6[%swap3A_368, %swap3A_369] {strides = array<i32>} : memref<128x32xf32, #tpu.memory_space<vmem>>, vector<16xf32>,
    tpu.vector_store %arg6[%swap3A_368, %swap3A_369], %broadcast_in_dim3A_3 {strides = array<i32>} : memref<128x32xf32, #tpu.memory_space<vmem>>, vector<16xf32>,
    %swap3A_371 = arith.constant 46 : i32
    %swap3A_372 = arith.index_cast %swap3A_371 : i32 to index
    %swap3A_373 = arith.constant 0 : index
    %swap3A_374 = tpu.vector_load %arg6[%swap3A_372, %swap3A_373] {strides = array<i32>} : memref<128x32xf32, #tpu.memory_space<vmem>>, vector<16xf32>,
    tpu.vector_store %arg6[%swap3A_372, %swap3A_373], %broadcast_in_dim3A_3 {strides = array<i32>} : memref<128x32xf32, #tpu.memory_space<vmem>>, vector<16xf32>,
    %swap3A_375 = arith.constant 46 : i32
    %swap3A_376 = arith.index_cast %swap3A_375 : i32 to index
    %swap3A_377 = arith.constant 16 : index
    %swap3A_378 = tpu.vector_load %arg6[%swap3A_376, %swap3A_377] {strides = array<i32>} : memref<128x32xf32, #tpu.memory_space<vmem>>, vector<16xf32>,
    tpu.vector_store %arg6[%swap3A_376, %swap3A_377], %broadcast_in_dim3A_3 {strides = array<i32>} : memref<128x32xf32, #tpu.memory_space<vmem>>, vector<16xf32>,
    %swap3A_379 = arith.constant 47 : i32
    %swap3A_380 = arith.index_cast %swap3A_379 : i32 to index
    %swap3A_381 = arith.constant 0 : index
    %swap3A_382 = tpu.vector_load %arg6[%swap3A_380, %swap3A_381] {strides = array<i32>} : memref<128x32xf32, #tpu.memory_space<vmem>>, vector<16xf32>,
    tpu.vector_store %arg6[%swap3A_380, %swap3A_381], %broadcast_in_dim3A_3 {strides = array<i32>} : memref<128x32xf32, #tpu.memory_space<vmem>>, vector<16xf32>,
    %swap3A_383 = arith.constant 47 : i32
    %swap3A_384 = arith.index_cast %swap3A_383 : i32 to index
    %swap3A_385 = arith.constant 16 : index
    %swap3A_386 = tpu.vector_load %arg6[%swap3A_384, %swap3A_385] {strides = array<i32>} : memref<128x32xf32, #tpu.memory_space<vmem>>, vector<16xf32>,
    tpu.vector_store %arg6[%swap3A_384, %swap3A_385], %broadcast_in_dim3A_3 {strides = array<i32>} : memref<128x32xf32, #tpu.memory_space<vmem>>, vector<16xf32>,
    %swap3A_387 = arith.constant 48 : i32
    %swap3A_388 = arith.index_cast %swap3A_387 : i32 to index
    %swap3A_389 = arith.constant 0 : index
    %swap3A_390 = tpu.vector_load %arg6[%swap3A_388, %swap3A_389] {strides = array<i32>} : memref<128x32xf32, #tpu.memory_space<vmem>>, vector<16xf32>,
    tpu.vector_store %arg6[%swap3A_388, %swap3A_389], %broadcast_in_dim3A_3 {strides = array<i32>} : memref<128x32xf32, #tpu.memory_space<vmem>>, vector<16xf32>,
    %swap3A_391 = arith.constant 48 : i32
    %swap3A_392 = arith.index_cast %swap3A_391 : i32 to index
    %swap3A_393 = arith.constant 16 : index
    %swap3A_394 = tpu.vector_load %arg6[%swap3A_392, %swap3A_393] {strides = array<i32>} : memref<128x32xf32, #tpu.memory_space<vmem>>, vector<16xf32>,
    tpu.vector_store %arg6[%swap3A_392, %swap3A_393], %broadcast_in_dim3A_3 {strides = array<i32>} : memref<128x32xf32, #tpu.memory_space<vmem>>, vector<16xf32>,
    %swap3A_395 = arith.constant 49 : i32
    %swap3A_396 = arith.index_cast %swap3A_395 : i32 to index
    %swap3A_397 = arith.constant 0 : index
    %swap3A_398 = tpu.vector_load %arg6[%swap3A_396, %swap3A_397] {strides = array<i32>} : memref<128x32xf32, #tpu.memory_space<vmem>>, vector<16xf32>,
    tpu.vector_store %arg6[%swap3A_396, %swap3A_397], %broadcast_in_dim3A_3 {strides = array<i32>} : memref<128x32xf32, #tpu.memory_space<vmem>>, vector<16xf32>,
    %swap3A_399 = arith.constant 49 : i32
    %swap3A_400 = arith.index_cast %swap3A_399 : i32 to index
    %swap3A_401 = arith.constant 16 : index
    %swap3A_402 = tpu.vector_load %arg6[%swap3A_400, %swap3A_401] {strides = array<i32>} : memref<128x32xf32, #tpu.memory_space<vmem>>, vector<16xf32>,
    tpu.vector_store %arg6[%swap3A_400, %swap3A_401], %broadcast_in_dim3A_3 {strides = array<i32>} : memref<128x32xf32, #tpu.memory_space<vmem>>, vector<16xf32>,
    %swap3A_403 = arith.constant 50 : i32
    %swap3A_404 = arith.index_cast %swap3A_403 : i32 to index
    %swap3A_405 = arith.constant 0 : index
    %swap3A_406 = tpu.vector_load %arg6[%swap3A_404, %swap3A_405] {strides = array<i32>} : memref<128x32xf32, #tpu.memory_space<vmem>>, vector<16xf32>,
    tpu.vector_store %arg6[%swap3A_404, %swap3A_405], %broadcast_in_dim3A_3 {strides = array<i32>} : memref<128x32xf32, #tpu.memory_space<vmem>>, vector<16xf32>,
    %swap3A_407 = arith.constant 50 : i32
    %swap3A_408 = arith.index_cast %swap3A_407 : i32 to index
    %swap3A_409 = arith.constant 16 : index
    %swap3A_410 = tpu.vector_load %arg6[%swap3A_408, %swap3A_409] {strides = array<i32>} : memref<128x32xf32, #tpu.memory_space<vmem>>, vector<16xf32>,
    tpu.vector_store %arg6[%swap3A_408, %swap3A_409], %broadcast_in_dim3A_3 {strides = array<i32>} : memref<128x32xf32, #tpu.memory_space<vmem>>, vector<16xf32>,
    %swap3A_411 = arith.constant 51 : i32
    %swap3A_412 = arith.index_cast %swap3A_411 : i32 to index
    %swap3A_413 = arith.constant 0 : index
    %swap3A_414 = tpu.vector_load %arg6[%swap3A_412, %swap3A_413] {strides = array<i32>} : memref<128x32xf32, #tpu.memory_space<vmem>>, vector<16xf32>,
    tpu.vector_store %arg6[%swap3A_412, %swap3A_413], %broadcast_in_dim3A_3 {strides = array<i32>} : memref<128x32xf32, #tpu.memory_space<vmem>>, vector<16xf32>,
    %swap3A_415 = arith.constant 51 : i32
    %swap3A_416 = arith.index_cast %swap3A_415 : i32 to index
    %swap3A_417 = arith.constant 16 : index
    %swap3A_418 = tpu.vector_load %arg6[%swap3A_416, %swap3A_417] {strides = array<i32>} : memref<128x32xf32, #tpu.memory_space<vmem>>, vector<16xf32>,
    tpu.vector_store %arg6[%swap3A_416, %swap3A_417], %broadcast_in_dim3A_3 {strides = array<i32>} : memref<128x32xf32, #tpu.memory_space<vmem>>, vector<16xf32>,
    %swap3A_419 = arith.constant 52 : i32
    %swap3A_420 = arith.index_cast %swap3A_419 : i32 to index
    %swap3A_421 = arith.constant 0 : index
    %swap3A_422 = tpu.vector_load %arg6[%swap3A_420, %swap3A_421] {strides = array<i32>} : memref<128x32xf32, #tpu.memory_space<vmem>>, vector<16xf32>,
    tpu.vector_store %arg6[%swap3A_420, %swap3A_421], %broadcast_in_dim3A_3 {strides = array<i32>} : memref<128x32xf32, #tpu.memory_space<vmem>>, vector<16xf32>,
    %swap3A_423 = arith.constant 52 : i32
    %swap3A_424 = arith.index_cast %swap3A_423 : i32 to index
    %swap3A_425 = arith.constant 16 : index
    %swap3A_426 = tpu.vector_load %arg6[%swap3A_424, %swap3A_425] {strides = array<i32>} : memref<128x32xf32, #tpu.memory_space<vmem>>, vector<16xf32>,
    tpu.vector_store %arg6[%swap3A_424, %swap3A_425], %broadcast_in_dim3A_3 {strides = array<i32>} : memref<128x32xf32, #tpu.memory_space<vmem>>, vector<16xf32>,
    %swap3A_427 = arith.constant 53 : i32
    %swap3A_428 = arith.index_cast %swap3A_427 : i32 to index
    %swap3A_429 = arith.constant 0 : index
    %swap3A_430 = tpu.vector_load %arg6[%swap3A_428, %swap3A_429] {strides = array<i32>} : memref<128x32xf32, #tpu.memory_space<vmem>>, vector<16xf32>,
    tpu.vector_store %arg6[%swap3A_428, %swap3A_429], %broadcast_in_dim3A_3 {strides = array<i32>} : memref<128x32xf32, #tpu.memory_space<vmem>>, vector<16xf32>,
    %swap3A_431 = arith.constant 53 : i32
    %swap3A_432 = arith.index_cast %swap3A_431 : i32 to index
    %swap3A_433 = arith.constant 16 : index
    %swap3A_434 = tpu.vector_load %arg6[%swap3A_432, %swap3A_433] {strides = array<i32>} : memref<128x32xf32, #tpu.memory_space<vmem>>, vector<16xf32>,
    tpu.vector_store %arg6[%swap3A_432, %swap3A_433], %broadcast_in_dim3A_3 {strides = array<i32>} : memref<128x32xf32, #tpu.memory_space<vmem>>, vector<16xf32>,
    %swap3A_435 = arith.constant 54 : i32
    %swap3A_436 = arith.index_cast %swap3A_435 : i32 to index
    %swap3A_437 = arith.constant 0 : index
    %swap3A_438 = tpu.vector_load %arg6[%swap3A_436, %swap3A_437] {strides = array<i32>} : memref<128x32xf32, #tpu.memory_space<vmem>>, vector<16xf32>,
    tpu.vector_store %arg6[%swap3A_436, %swap3A_437], %broadcast_in_dim3A_3 {strides = array<i32>} : memref<128x32xf32, #tpu.memory_space<vmem>>, vector<16xf32>,
    %swap3A_439 = arith.constant 54 : i32
    %swap3A_440 = arith.index_cast %swap3A_439 : i32 to index
    %swap3A_441 = arith.constant 16 : index
    %swap3A_442 = tpu.vector_load %arg6[%swap3A_440, %swap3A_441] {strides = array<i32>} : memref<128x32xf32, #tpu.memory_space<vmem>>, vector<16xf32>,
    tpu.vector_store %arg6[%swap3A_440, %swap3A_441], %broadcast_in_dim3A_3 {strides = array<i32>} : memref<128x32xf32, #tpu.memory_space<vmem>>, vector<16xf32>,
    %swap3A_443 = arith.constant 55 : i32
    %swap3A_444 = arith.index_cast %swap3A_443 : i32 to index
    %swap3A_445 = arith.constant 0 : index
    %swap3A_446 = tpu.vector_load %arg6[%swap3A_444, %swap3A_445] {strides = array<i32>} : memref<128x32xf32, #tpu.memory_space<vmem>>, vector<16xf32>,
    tpu.vector_store %arg6[%swap3A_444, %swap3A_445], %broadcast_in_dim3A_3 {strides = array<i32>} : memref<128x32xf32, #tpu.memory_space<vmem>>, vector<16xf32>,
    %swap3A_447 = arith.constant 55 : i32
    %swap3A_448 = arith.index_cast %swap3A_447 : i32 to index
    %swap3A_449 = arith.constant 16 : index
    %swap3A_450 = tpu.vector_load %arg6[%swap3A_448, %swap3A_449] {strides = array<i32>} : memref<128x32xf32, #tpu.memory_space<vmem>>, vector<16xf32>,
    tpu.vector_store %arg6[%swap3A_448, %swap3A_449], %broadcast_in_dim3A_3 {strides = array<i32>} : memref<128x32xf32, #tpu.memory_space<vmem>>, vector<16xf32>,
    %swap3A_451 = arith.constant 56 : i32
    %swap3A_452 = arith.index_cast %swap3A_451 : i32 to index
    %swap3A_453 = arith.constant 0 : index
    %swap3A_454 = tpu.vector_load %arg6[%swap3A_452, %swap3A_453] {strides = array<i32>} : memref<128x32xf32, #tpu.memory_space<vmem>>, vector<16xf32>,
    tpu.vector_store %arg6[%swap3A_452, %swap3A_453], %broadcast_in_dim3A_3 {strides = array<i32>} : memref<128x32xf32, #tpu.memory_space<vmem>>, vector<16xf32>,
    %swap3A_455 = arith.constant 56 : i32
    %swap3A_456 = arith.index_cast %swap3A_455 : i32 to index
    %swap3A_457 = arith.constant 16 : index
    %swap3A_458 = tpu.vector_load %arg6[%swap3A_456, %swap3A_457] {strides = array<i32>} : memref<128x32xf32, #tpu.memory_space<vmem>>, vector<16xf32>,
    tpu.vector_store %arg6[%swap3A_456, %swap3A_457], %broadcast_in_dim3A_3 {strides = array<i32>} : memref<128x32xf32, #tpu.memory_space<vmem>>, vector<16xf32>,
    %swap3A_459 = arith.constant 57 : i32
    %swap3A_460 = arith.index_cast %swap3A_459 : i32 to index
    %swap3A_461 = arith.constant 0 : index
    %swap3A_462 = tpu.vector_load %arg6[%swap3A_460, %swap3A_461] {strides = array<i32>} : memref<128x32xf32, #tpu.memory_space<vmem>>, vector<16xf32>,
    tpu.vector_store %arg6[%swap3A_460, %swap3A_461], %broadcast_in_dim3A_3 {strides = array<i32>} : memref<128x32xf32, #tpu.memory_space<vmem>>, vector<16xf32>,
    %swap3A_463 = arith.constant 57 : i32
    %swap3A_464 = arith.index_cast %swap3A_463 : i32 to index
    %swap3A_465 = arith.constant 16 : index
    %swap3A_466 = tpu.vector_load %arg6[%swap3A_464, %swap3A_465] {strides = array<i32>} : memref<128x32xf32, #tpu.memory_space<vmem>>, vector<16xf32>,
    tpu.vector_store %arg6[%swap3A_464, %swap3A_465], %broadcast_in_dim3A_3 {strides = array<i32>} : memref<128x32xf32, #tpu.memory_space<vmem>>, vector<16xf32>,
    %swap3A_467 = arith.constant 58 : i32
    %swap3A_468 = arith.index_cast %swap3A_467 : i32 to index
    %swap3A_469 = arith.constant 0 : index
    %swap3A_470 = tpu.vector_load %arg6[%swap3A_468, %swap3A_469] {strides = array<i32>} : memref<128x32xf32, #tpu.memory_space<vmem>>, vector<16xf32>,
    tpu.vector_store %arg6[%swap3A_468, %swap3A_469], %broadcast_in_dim3A_3 {strides = array<i32>} : memref<128x32xf32, #tpu.memory_space<vmem>>, vector<16xf32>,
    %swap3A_471 = arith.constant 58 : i32
    %swap3A_472 = arith.index_cast %swap3A_471 : i32 to index
    %swap3A_473 = arith.constant 16 : index
    %swap3A_474 = tpu.vector_load %arg6[%swap3A_472, %swap3A_473] {strides = array<i32>} : memref<128x32xf32, #tpu.memory_space<vmem>>, vector<16xf32>,
    tpu.vector_store %arg6[%swap3A_472, %swap3A_473], %broadcast_in_dim3A_3 {strides = array<i32>} : memref<128x32xf32, #tpu.memory_space<vmem>>, vector<16xf32>,
    %swap3A_475 = arith.constant 59 : i32
    %swap3A_476 = arith.index_cast %swap3A_475 : i32 to index
    %swap3A_477 = arith.constant 0 : index
    %swap3A_478 = tpu.vector_load %arg6[%swap3A_476, %swap3A_477] {strides = array<i32>} : memref<128x32xf32, #tpu.memory_space<vmem>>, vector<16xf32>,
    tpu.vector_store %arg6[%swap3A_476, %swap3A_477], %broadcast_in_dim3A_3 {strides = array<i32>} : memref<128x32xf32, #tpu.memory_space<vmem>>, vector<16xf32>,
    %swap3A_479 = arith.constant 59 : i32
    %swap3A_480 = arith.index_cast %swap3A_479 : i32 to index
    %swap3A_481 = arith.constant 16 : index
    %swap3A_482 = tpu.vector_load %arg6[%swap3A_480, %swap3A_481] {strides = array<i32>} : memref<128x32xf32, #tpu.memory_space<vmem>>, vector<16xf32>,
    tpu.vector_store %arg6[%swap3A_480, %swap3A_481], %broadcast_in_dim3A_3 {strides = array<i32>} : memref<128x32xf32, #tpu.memory_space<vmem>>, vector<16xf32>,
    %swap3A_483 = arith.constant 60 : i32
    %swap3A_484 = arith.index_cast %swap3A_483 : i32 to index
    %swap3A_485 = arith.constant 0 : index
    %swap3A_486 = tpu.vector_load %arg6[%swap3A_484, %swap3A_485] {strides = array<i32>} : memref<128x32xf32, #tpu.memory_space<vmem>>, vector<16xf32>,
    tpu.vector_store %arg6[%swap3A_484, %swap3A_485], %broadcast_in_dim3A_3 {strides = array<i32>} : memref<128x32xf32, #tpu.memory_space<vmem>>, vector<16xf32>,
    %swap3A_487 = arith.constant 60 : i32
    %swap3A_488 = arith.index_cast %swap3A_487 : i32 to index
    %swap3A_489 = arith.constant 16 : index
    %swap3A_490 = tpu.vector_load %arg6[%swap3A_488, %swap3A_489] {strides = array<i32>} : memref<128x32xf32, #tpu.memory_space<vmem>>, vector<16xf32>,
    tpu.vector_store %arg6[%swap3A_488, %swap3A_489], %broadcast_in_dim3A_3 {strides = array<i32>} : memref<128x32xf32, #tpu.memory_space<vmem>>, vector<16xf32>,
    %swap3A_491 = arith.constant 61 : i32
    %swap3A_492 = arith.index_cast %swap3A_491 : i32 to index
    %swap3A_493 = arith.constant 0 : index
    %swap3A_494 = tpu.vector_load %arg6[%swap3A_492, %swap3A_493] {strides = array<i32>} : memref<128x32xf32, #tpu.memory_space<vmem>>, vector<16xf32>,
    tpu.vector_store %arg6[%swap3A_492, %swap3A_493], %broadcast_in_dim3A_3 {strides = array<i32>} : memref<128x32xf32, #tpu.memory_space<vmem>>, vector<16xf32>,
    %swap3A_495 = arith.constant 61 : i32
    %swap3A_496 = arith.index_cast %swap3A_495 : i32 to index
    %swap3A_497 = arith.constant 16 : index
    %swap3A_498 = tpu.vector_load %arg6[%swap3A_496, %swap3A_497] {strides = array<i32>} : memref<128x32xf32, #tpu.memory_space<vmem>>, vector<16xf32>,
    tpu.vector_store %arg6[%swap3A_496, %swap3A_497], %broadcast_in_dim3A_3 {strides = array<i32>} : memref<128x32xf32, #tpu.memory_space<vmem>>, vector<16xf32>,
    %swap3A_499 = arith.constant 62 : i32
    %swap3A_500 = arith.index_cast %swap3A_499 : i32 to index
    %swap3A_501 = arith.constant 0 : index
    %swap3A_502 = tpu.vector_load %arg6[%swap3A_500, %swap3A_501] {strides = array<i32>} : memref<128x32xf32, #tpu.memory_space<vmem>>, vector<16xf32>,
    tpu.vector_store %arg6[%swap3A_500, %swap3A_501], %broadcast_in_dim3A_3 {strides = array<i32>} : memref<128x32xf32, #tpu.memory_space<vmem>>, vector<16xf32>,
    %swap3A_503 = arith.constant 62 : i32
    %swap3A_504 = arith.index_cast %swap3A_503 : i32 to index
    %swap3A_505 = arith.constant 16 : index
    %swap3A_506 = tpu.vector_load %arg6[%swap3A_504, %swap3A_505] {strides = array<i32>} : memref<128x32xf32, #tpu.memory_space<vmem>>, vector<16xf32>,
    tpu.vector_store %arg6[%swap3A_504, %swap3A_505], %broadcast_in_dim3A_3 {strides = array<i32>} : memref<128x32xf32, #tpu.memory_space<vmem>>, vector<16xf32>,
    %swap3A_507 = arith.constant 63 : i32
    %swap3A_508 = arith.index_cast %swap3A_507 : i32 to index
    %swap3A_509 = arith.constant 0 : index
    %swap3A_510 = tpu.vector_load %arg6[%swap3A_508, %swap3A_509] {strides = array<i32>} : memref<128x32xf32, #tpu.memory_space<vmem>>, vector<16xf32>,
    tpu.vector_store %arg6[%swap3A_508, %swap3A_509], %broadcast_in_dim3A_3 {strides = array<i32>} : memref<128x32xf32, #tpu.memory_space<vmem>>, vector<16xf32>,
    %swap3A_511 = arith.constant 63 : i32
    %swap3A_512 = arith.index_cast %swap3A_511 : i32 to index
    %swap3A_513 = arith.constant 16 : index
    %swap3A_514 = tpu.vector_load %arg6[%swap3A_512, %swap3A_513] {strides = array<i32>} : memref<128x32xf32, #tpu.memory_space<vmem>>, vector<16xf32>,
    tpu.vector_store %arg6[%swap3A_512, %swap3A_513], %broadcast_in_dim3A_3 {strides = array<i32>} : memref<128x32xf32, #tpu.memory_space<vmem>>, vector<16xf32>,
    %swap3A_515 = arith.constant 64 : i32
    %swap3A_516 = arith.index_cast %swap3A_515 : i32 to index
    %swap3A_517 = arith.constant 0 : index
    %swap3A_518 = tpu.vector_load %arg6[%swap3A_516, %swap3A_517] {strides = array<i32>} : memref<128x32xf32, #tpu.memory_space<vmem>>, vector<16xf32>,
    tpu.vector_store %arg6[%swap3A_516, %swap3A_517], %broadcast_in_dim3A_3 {strides = array<i32>} : memref<128x32xf32, #tpu.memory_space<vmem>>, vector<16xf32>,
    %swap3A_519 = arith.constant 64 : i32
    %swap3A_520 = arith.index_cast %swap3A_519 : i32 to index
    %swap3A_521 = arith.constant 16 : index
    %swap3A_522 = tpu.vector_load %arg6[%swap3A_520, %swap3A_521] {strides = array<i32>} : memref<128x32xf32, #tpu.memory_space<vmem>>, vector<16xf32>,
    tpu.vector_store %arg6[%swap3A_520, %swap3A_521], %broadcast_in_dim3A_3 {strides = array<i32>} : memref<128x32xf32, #tpu.memory_space<vmem>>, vector<16xf32>,
    %swap3A_523 = arith.constant 65 : i32
    %swap3A_524 = arith.index_cast %swap3A_523 : i32 to index
    %swap3A_525 = arith.constant 0 : index
    %swap3A_526 = tpu.vector_load %arg6[%swap3A_524, %swap3A_525] {strides = array<i32>} : memref<128x32xf32, #tpu.memory_space<vmem>>, vector<16xf32>,
    tpu.vector_store %arg6[%swap3A_524, %swap3A_525], %broadcast_in_dim3A_3 {strides = array<i32>} : memref<128x32xf32, #tpu.memory_space<vmem>>, vector<16xf32>,
    %swap3A_527 = arith.constant 65 : i32
    %swap3A_528 = arith.index_cast %swap3A_527 : i32 to index
    %swap3A_529 = arith.constant 16 : index
    %swap3A_530 = tpu.vector_load %arg6[%swap3A_528, %swap3A_529] {strides = array<i32>} : memref<128x32xf32, #tpu.memory_space<vmem>>, vector<16xf32>,
    tpu.vector_store %arg6[%swap3A_528, %swap3A_529], %broadcast_in_dim3A_3 {strides = array<i32>} : memref<128x32xf32, #tpu.memory_space<vmem>>, vector<16xf32>,
    %swap3A_531 = arith.constant 66 : i32
    %swap3A_532 = arith.index_cast %swap3A_531 : i32 to index
    %swap3A_533 = arith.constant 0 : index
    %swap3A_534 = tpu.vector_load %arg6[%swap3A_532, %swap3A_533] {strides = array<i32>} : memref<128x32xf32, #tpu.memory_space<vmem>>, vector<16xf32>,
    tpu.vector_store %arg6[%swap3A_532, %swap3A_533], %broadcast_in_dim3A_3 {strides = array<i32>} : memref<128x32xf32, #tpu.memory_space<vmem>>, vector<16xf32>,
    %swap3A_535 = arith.constant 66 : i32
    %swap3A_536 = arith.index_cast %swap3A_535 : i32 to index
    %swap3A_537 = arith.constant 16 : index
    %swap3A_538 = tpu.vector_load %arg6[%swap3A_536, %swap3A_537] {strides = array<i32>} : memref<128x32xf32, #tpu.memory_space<vmem>>, vector<16xf32>,
    tpu.vector_store %arg6[%swap3A_536, %swap3A_537], %broadcast_in_dim3A_3 {strides = array<i32>} : memref<128x32xf32, #tpu.memory_space<vmem>>, vector<16xf32>,
    %swap3A_539 = arith.constant 67 : i32
    %swap3A_540 = arith.index_cast %swap3A_539 : i32 to index
    %swap3A_541 = arith.constant 0 : index
    %swap3A_542 = tpu.vector_load %arg6[%swap3A_540, %swap3A_541] {strides = array<i32>} : memref<128x32xf32, #tpu.memory_space<vmem>>, vector<16xf32>,
    tpu.vector_store %arg6[%swap3A_540, %swap3A_541], %broadcast_in_dim3A_3 {strides = array<i32>} : memref<128x32xf32, #tpu.memory_space<vmem>>, vector<16xf32>,
    %swap3A_543 = arith.constant 67 : i32
    %swap3A_544 = arith.index_cast %swap3A_543 : i32 to index
    %swap3A_545 = arith.constant 16 : index
    %swap3A_546 = tpu.vector_load %arg6[%swap3A_544, %swap3A_545] {strides = array<i32>} : memref<128x32xf32, #tpu.memory_space<vmem>>, vector<16xf32>,
    tpu.vector_store %arg6[%swap3A_544, %swap3A_545], %broadcast_in_dim3A_3 {strides = array<i32>} : memref<128x32xf32, #tpu.memory_space<vmem>>, vector<16xf32>,
    %swap3A_547 = arith.constant 68 : i32
    %swap3A_548 = arith.index_cast %swap3A_547 : i32 to index
    %swap3A_549 = arith.constant 0 : index
    %swap3A_550 = tpu.vector_load %arg6[%swap3A_548, %swap3A_549] {strides = array<i32>} : memref<128x32xf32, #tpu.memory_space<vmem>>, vector<16xf32>,
    tpu.vector_store %arg6[%swap3A_548, %swap3A_549], %broadcast_in_dim3A_3 {strides = array<i32>} : memref<128x32xf32, #tpu.memory_space<vmem>>, vector<16xf32>,
    %swap3A_551 = arith.constant 68 : i32
    %swap3A_552 = arith.index_cast %swap3A_551 : i32 to index
    %swap3A_553 = arith.constant 16 : index
    %swap3A_554 = tpu.vector_load %arg6[%swap3A_552, %swap3A_553] {strides = array<i32>} : memref<128x32xf32, #tpu.memory_space<vmem>>, vector<16xf32>,
    tpu.vector_store %arg6[%swap3A_552, %swap3A_553], %broadcast_in_dim3A_3 {strides = array<i32>} : memref<128x32xf32, #tpu.memory_space<vmem>>, vector<16xf32>,
    %swap3A_555 = arith.constant 69 : i32
    %swap3A_556 = arith.index_cast %swap3A_555 : i32 to index
    %swap3A_557 = arith.constant 0 : index
    %swap3A_558 = tpu.vector_load %arg6[%swap3A_556, %swap3A_557] {strides = array<i32>} : memref<128x32xf32, #tpu.memory_space<vmem>>, vector<16xf32>,
    tpu.vector_store %arg6[%swap3A_556, %swap3A_557], %broadcast_in_dim3A_3 {strides = array<i32>} : memref<128x32xf32, #tpu.memory_space<vmem>>, vector<16xf32>,
    %swap3A_559 = arith.constant 69 : i32
    %swap3A_560 = arith.index_cast %swap3A_559 : i32 to index
    %swap3A_561 = arith.constant 16 : index
    %swap3A_562 = tpu.vector_load %arg6[%swap3A_560, %swap3A_561] {strides = array<i32>} : memref<128x32xf32, #tpu.memory_space<vmem>>, vector<16xf32>,
    tpu.vector_store %arg6[%swap3A_560, %swap3A_561], %broadcast_in_dim3A_3 {strides = array<i32>} : memref<128x32xf32, #tpu.memory_space<vmem>>, vector<16xf32>,
    %swap3A_563 = arith.constant 70 : i32
    %swap3A_564 = arith.index_cast %swap3A_563 : i32 to index
    %swap3A_565 = arith.constant 0 : index
    %swap3A_566 = tpu.vector_load %arg6[%swap3A_564, %swap3A_565] {strides = array<i32>} : memref<128x32xf32, #tpu.memory_space<vmem>>, vector<16xf32>,
    tpu.vector_store %arg6[%swap3A_564, %swap3A_565], %broadcast_in_dim3A_3 {strides = array<i32>} : memref<128x32xf32, #tpu.memory_space<vmem>>, vector<16xf32>,
    %swap3A_567 = arith.constant 70 : i32
    %swap3A_568 = arith.index_cast %swap3A_567 : i32 to index
    %swap3A_569 = arith.constant 16 : index
    %swap3A_570 = tpu.vector_load %arg6[%swap3A_568, %swap3A_569] {strides = array<i32>} : memref<128x32xf32, #tpu.memory_space<vmem>>, vector<16xf32>,
    tpu.vector_store %arg6[%swap3A_568, %swap3A_569], %broadcast_in_dim3A_3 {strides = array<i32>} : memref<128x32xf32, #tpu.memory_space<vmem>>, vector<16xf32>,
    %swap3A_571 = arith.constant 71 : i32
    %swap3A_572 = arith.index_cast %swap3A_571 : i32 to index
    %swap3A_573 = arith.constant 0 : index
    %swap3A_574 = tpu.vector_load %arg6[%swap3A_572, %swap3A_573] {strides = array<i32>} : memref<128x32xf32, #tpu.memory_space<vmem>>, vector<16xf32>,
    tpu.vector_store %arg6[%swap3A_572, %swap3A_573], %broadcast_in_dim3A_3 {strides = array<i32>} : memref<128x32xf32, #tpu.memory_space<vmem>>, vector<16xf32>,
    %swap3A_575 = arith.constant 71 : i32
    %swap3A_576 = arith.index_cast %swap3A_575 : i32 to index
    %swap3A_577 = arith.constant 16 : index
    %swap3A_578 = tpu.vector_load %arg6[%swap3A_576, %swap3A_577] {strides = array<i32>} : memref<128x32xf32, #tpu.memory_space<vmem>>, vector<16xf32>,
    tpu.vector_store %arg6[%swap3A_576, %swap3A_577], %broadcast_in_dim3A_3 {strides = array<i32>} : memref<128x32xf32, #tpu.memory_space<vmem>>, vector<16xf32>,
    %swap3A_579 = arith.constant 72 : i32
    %swap3A_580 = arith.index_cast %swap3A_579 : i32 to index
    %swap3A_581 = arith.constant 0 : index
    %swap3A_582 = tpu.vector_load %arg6[%swap3A_580, %swap3A_581] {strides = array<i32>} : memref<128x32xf32, #tpu.memory_space<vmem>>, vector<16xf32>,
    tpu.vector_store %arg6[%swap3A_580, %swap3A_581], %broadcast_in_dim3A_3 {strides = array<i32>} : memref<128x32xf32, #tpu.memory_space<vmem>>, vector<16xf32>,
    %swap3A_583 = arith.constant 72 : i32
    %swap3A_584 = arith.index_cast %swap3A_583 : i32 to index
    %swap3A_585 = arith.constant 16 : index
    %swap3A_586 = tpu.vector_load %arg6[%swap3A_584, %swap3A_585] {strides = array<i32>} : memref<128x32xf32, #tpu.memory_space<vmem>>, vector<16xf32>,
    tpu.vector_store %arg6[%swap3A_584, %swap3A_585], %broadcast_in_dim3A_3 {strides = array<i32>} : memref<128x32xf32, #tpu.memory_space<vmem>>, vector<16xf32>,
    %swap3A_587 = arith.constant 73 : i32
    %swap3A_588 = arith.index_cast %swap3A_587 : i32 to index
    %swap3A_589 = arith.constant 0 : index
    %swap3A_590 = tpu.vector_load %arg6[%swap3A_588, %swap3A_589] {strides = array<i32>} : memref<128x32xf32, #tpu.memory_space<vmem>>, vector<16xf32>,
    tpu.vector_store %arg6[%swap3A_588, %swap3A_589], %broadcast_in_dim3A_3 {strides = array<i32>} : memref<128x32xf32, #tpu.memory_space<vmem>>, vector<16xf32>,
    %swap3A_591 = arith.constant 73 : i32
    %swap3A_592 = arith.index_cast %swap3A_591 : i32 to index
    %swap3A_593 = arith.constant 16 : index
    %swap3A_594 = tpu.vector_load %arg6[%swap3A_592, %swap3A_593] {strides = array<i32>} : memref<128x32xf32, #tpu.memory_space<vmem>>, vector<16xf32>,
    tpu.vector_store %arg6[%swap3A_592, %swap3A_593], %broadcast_in_dim3A_3 {strides = array<i32>} : memref<128x32xf32, #tpu.memory_space<vmem>>, vector<16xf32>,
    %swap3A_595 = arith.constant 74 : i32
    %swap3A_596 = arith.index_cast %swap3A_595 : i32 to index
    %swap3A_597 = arith.constant 0 : index
    %swap3A_598 = tpu.vector_load %arg6[%swap3A_596, %swap3A_597] {strides = array<i32>} : memref<128x32xf32, #tpu.memory_space<vmem>>, vector<16xf32>,
    tpu.vector_store %arg6[%swap3A_596, %swap3A_597], %broadcast_in_dim3A_3 {strides = array<i32>} : memref<128x32xf32, #tpu.memory_space<vmem>>, vector<16xf32>,
    %swap3A_599 = arith.constant 74 : i32
    %swap3A_600 = arith.index_cast %swap3A_599 : i32 to index
    %swap3A_601 = arith.constant 16 : index
    %swap3A_602 = tpu.vector_load %arg6[%swap3A_600, %swap3A_601] {strides = array<i32>} : memref<128x32xf32, #tpu.memory_space<vmem>>, vector<16xf32>,
    tpu.vector_store %arg6[%swap3A_600, %swap3A_601], %broadcast_in_dim3A_3 {strides = array<i32>} : memref<128x32xf32, #tpu.memory_space<vmem>>, vector<16xf32>,
    %swap3A_603 = arith.constant 75 : i32
    %swap3A_604 = arith.index_cast %swap3A_603 : i32 to index
    %swap3A_605 = arith.constant 0 : index
    %swap3A_606 = tpu.vector_load %arg6[%swap3A_604, %swap3A_605] {strides = array<i32>} : memref<128x32xf32, #tpu.memory_space<vmem>>, vector<16xf32>,
    tpu.vector_store %arg6[%swap3A_604, %swap3A_605], %broadcast_in_dim3A_3 {strides = array<i32>} : memref<128x32xf32, #tpu.memory_space<vmem>>, vector<16xf32>,
    %swap3A_607 = arith.constant 75 : i32
    %swap3A_608 = arith.index_cast %swap3A_607 : i32 to index
    %swap3A_609 = arith.constant 16 : index
    %swap3A_610 = tpu.vector_load %arg6[%swap3A_608, %swap3A_609] {strides = array<i32>} : memref<128x32xf32, #tpu.memory_space<vmem>>, vector<16xf32>,
    tpu.vector_store %arg6[%swap3A_608, %swap3A_609], %broadcast_in_dim3A_3 {strides = array<i32>} : memref<128x32xf32, #tpu.memory_space<vmem>>, vector<16xf32>,
    %swap3A_611 = arith.constant 76 : i32
    %swap3A_612 = arith.index_cast %swap3A_611 : i32 to index
    %swap3A_613 = arith.constant 0 : index
    %swap3A_614 = tpu.vector_load %arg6[%swap3A_612, %swap3A_613] {strides = array<i32>} : memref<128x32xf32, #tpu.memory_space<vmem>>, vector<16xf32>,
    tpu.vector_store %arg6[%swap3A_612, %swap3A_613], %broadcast_in_dim3A_3 {strides = array<i32>} : memref<128x32xf32, #tpu.memory_space<vmem>>, vector<16xf32>,
    %swap3A_615 = arith.constant 76 : i32
    %swap3A_616 = arith.index_cast %swap3A_615 : i32 to index
    %swap3A_617 = arith.constant 16 : index
    %swap3A_618 = tpu.vector_load %arg6[%swap3A_616, %swap3A_617] {strides = array<i32>} : memref<128x32xf32, #tpu.memory_space<vmem>>, vector<16xf32>,
    tpu.vector_store %arg6[%swap3A_616, %swap3A_617], %broadcast_in_dim3A_3 {strides = array<i32>} : memref<128x32xf32, #tpu.memory_space<vmem>>, vector<16xf32>,
    %swap3A_619 = arith.constant 77 : i32
    %swap3A_620 = arith.index_cast %swap3A_619 : i32 to index
    %swap3A_621 = arith.constant 0 : index
    %swap3A_622 = tpu.vector_load %arg6[%swap3A_620, %swap3A_621] {strides = array<i32>} : memref<128x32xf32, #tpu.memory_space<vmem>>, vector<16xf32>,
    tpu.vector_store %arg6[%swap3A_620, %swap3A_621], %broadcast_in_dim3A_3 {strides = array<i32>} : memref<128x32xf32, #tpu.memory_space<vmem>>, vector<16xf32>,
    %swap3A_623 = arith.constant 77 : i32
    %swap3A_624 = arith.index_cast %swap3A_623 : i32 to index
    %swap3A_625 = arith.constant 16 : index
    %swap3A_626 = tpu.vector_load %arg6[%swap3A_624, %swap3A_625] {strides = array<i32>} : memref<128x32xf32, #tpu.memory_space<vmem>>, vector<16xf32>,
    tpu.vector_store %arg6[%swap3A_624, %swap3A_625], %broadcast_in_dim3A_3 {strides = array<i32>} : memref<128x32xf32, #tpu.memory_space<vmem>>, vector<16xf32>,
    %swap3A_627 = arith.constant 78 : i32
    %swap3A_628 = arith.index_cast %swap3A_627 : i32 to index
    %swap3A_629 = arith.constant 0 : index
    %swap3A_630 = tpu.vector_load %arg6[%swap3A_628, %swap3A_629] {strides = array<i32>} : memref<128x32xf32, #tpu.memory_space<vmem>>, vector<16xf32>,
    tpu.vector_store %arg6[%swap3A_628, %swap3A_629], %broadcast_in_dim3A_3 {strides = array<i32>} : memref<128x32xf32, #tpu.memory_space<vmem>>, vector<16xf32>,
    %swap3A_631 = arith.constant 78 : i32
    %swap3A_632 = arith.index_cast %swap3A_631 : i32 to index
    %swap3A_633 = arith.constant 16 : index
    %swap3A_634 = tpu.vector_load %arg6[%swap3A_632, %swap3A_633] {strides = array<i32>} : memref<128x32xf32, #tpu.memory_space<vmem>>, vector<16xf32>,
    tpu.vector_store %arg6[%swap3A_632, %swap3A_633], %broadcast_in_dim3A_3 {strides = array<i32>} : memref<128x32xf32, #tpu.memory_space<vmem>>, vector<16xf32>,
    %swap3A_635 = arith.constant 79 : i32
    %swap3A_636 = arith.index_cast %swap3A_635 : i32 to index
    %swap3A_637 = arith.constant 0 : index
    %swap3A_638 = tpu.vector_load %arg6[%swap3A_636, %swap3A_637] {strides = array<i32>} : memref<128x32xf32, #tpu.memory_space<vmem>>, vector<16xf32>,
    tpu.vector_store %arg6[%swap3A_636, %swap3A_637], %broadcast_in_dim3A_3 {strides = array<i32>} : memref<128x32xf32, #tpu.memory_space<vmem>>, vector<16xf32>,
    %swap3A_639 = arith.constant 79 : i32
    %swap3A_640 = arith.index_cast %swap3A_639 : i32 to index
    %swap3A_641 = arith.constant 16 : index
    %swap3A_642 = tpu.vector_load %arg6[%swap3A_640, %swap3A_641] {strides = array<i32>} : memref<128x32xf32, #tpu.memory_space<vmem>>, vector<16xf32>,
    tpu.vector_store %arg6[%swap3A_640, %swap3A_641], %broadcast_in_dim3A_3 {strides = array<i32>} : memref<128x32xf32, #tpu.memory_space<vmem>>, vector<16xf32>,
    %swap3A_643 = arith.constant 80 : i32
    %swap3A_644 = arith.index_cast %swap3A_643 : i32 to index
    %swap3A_645 = arith.constant 0 : index
    %swap3A_646 = tpu.vector_load %arg6[%swap3A_644, %swap3A_645] {strides = array<i32>} : memref<128x32xf32, #tpu.memory_space<vmem>>, vector<16xf32>,
    tpu.vector_store %arg6[%swap3A_644, %swap3A_645], %broadcast_in_dim3A_3 {strides = array<i32>} : memref<128x32xf32, #tpu.memory_space<vmem>>, vector<16xf32>,
    %swap3A_647 = arith.constant 80 : i32
    %swap3A_648 = arith.index_cast %swap3A_647 : i32 to index
    %swap3A_649 = arith.constant 16 : index
    %swap3A_650 = tpu.vector_load %arg6[%swap3A_648, %swap3A_649] {strides = array<i32>} : memref<128x32xf32, #tpu.memory_space<vmem>>, vector<16xf32>,
    tpu.vector_store %arg6[%swap3A_648, %swap3A_649], %broadcast_in_dim3A_3 {strides = array<i32>} : memref<128x32xf32, #tpu.memory_space<vmem>>, vector<16xf32>,
    %swap3A_651 = arith.constant 81 : i32
    %swap3A_652 = arith.index_cast %swap3A_651 : i32 to index
    %swap3A_653 = arith.constant 0 : index
    %swap3A_654 = tpu.vector_load %arg6[%swap3A_652, %swap3A_653] {strides = array<i32>} : memref<128x32xf32, #tpu.memory_space<vmem>>, vector<16xf32>,
    tpu.vector_store %arg6[%swap3A_652, %swap3A_653], %broadcast_in_dim3A_3 {strides = array<i32>} : memref<128x32xf32, #tpu.memory_space<vmem>>, vector<16xf32>,
    %swap3A_655 = arith.constant 81 : i32
    %swap3A_656 = arith.index_cast %swap3A_655 : i32 to index
    %swap3A_657 = arith.constant 16 : index
    %swap3A_658 = tpu.vector_load %arg6[%swap3A_656, %swap3A_657] {strides = array<i32>} : memref<128x32xf32, #tpu.memory_space<vmem>>, vector<16xf32>,
    tpu.vector_store %arg6[%swap3A_656, %swap3A_657], %broadcast_in_dim3A_3 {strides = array<i32>} : memref<128x32xf32, #tpu.memory_space<vmem>>, vector<16xf32>,
    %swap3A_659 = arith.constant 82 : i32
    %swap3A_660 = arith.index_cast %swap3A_659 : i32 to index
    %swap3A_661 = arith.constant 0 : index
    %swap3A_662 = tpu.vector_load %arg6[%swap3A_660, %swap3A_661] {strides = array<i32>} : memref<128x32xf32, #tpu.memory_space<vmem>>, vector<16xf32>,
    tpu.vector_store %arg6[%swap3A_660, %swap3A_661], %broadcast_in_dim3A_3 {strides = array<i32>} : memref<128x32xf32, #tpu.memory_space<vmem>>, vector<16xf32>,
    %swap3A_663 = arith.constant 82 : i32
    %swap3A_664 = arith.index_cast %swap3A_663 : i32 to index
    %swap3A_665 = arith.constant 16 : index
    %swap3A_666 = tpu.vector_load %arg6[%swap3A_664, %swap3A_665] {strides = array<i32>} : memref<128x32xf32, #tpu.memory_space<vmem>>, vector<16xf32>,
    tpu.vector_store %arg6[%swap3A_664, %swap3A_665], %broadcast_in_dim3A_3 {strides = array<i32>} : memref<128x32xf32, #tpu.memory_space<vmem>>, vector<16xf32>,
    %swap3A_667 = arith.constant 83 : i32
    %swap3A_668 = arith.index_cast %swap3A_667 : i32 to index
    %swap3A_669 = arith.constant 0 : index
    %swap3A_670 = tpu.vector_load %arg6[%swap3A_668, %swap3A_669] {strides = array<i32>} : memref<128x32xf32, #tpu.memory_space<vmem>>, vector<16xf32>,
    tpu.vector_store %arg6[%swap3A_668, %swap3A_669], %broadcast_in_dim3A_3 {strides = array<i32>} : memref<128x32xf32, #tpu.memory_space<vmem>>, vector<16xf32>,
    %swap3A_671 = arith.constant 83 : i32
    %swap3A_672 = arith.index_cast %swap3A_671 : i32 to index
    %swap3A_673 = arith.constant 16 : index
    %swap3A_674 = tpu.vector_load %arg6[%swap3A_672, %swap3A_673] {strides = array<i32>} : memref<128x32xf32, #tpu.memory_space<vmem>>, vector<16xf32>,
    tpu.vector_store %arg6[%swap3A_672, %swap3A_673], %broadcast_in_dim3A_3 {strides = array<i32>} : memref<128x32xf32, #tpu.memory_space<vmem>>, vector<16xf32>,
    %swap3A_675 = arith.constant 84 : i32
    %swap3A_676 = arith.index_cast %swap3A_675 : i32 to index
    %swap3A_677 = arith.constant 0 : index
    %swap3A_678 = tpu.vector_load %arg6[%swap3A_676, %swap3A_677] {strides = array<i32>} : memref<128x32xf32, #tpu.memory_space<vmem>>, vector<16xf32>,
    tpu.vector_store %arg6[%swap3A_676, %swap3A_677], %broadcast_in_dim3A_3 {strides = array<i32>} : memref<128x32xf32, #tpu.memory_space<vmem>>, vector<16xf32>,
    %swap3A_679 = arith.constant 84 : i32
    %swap3A_680 = arith.index_cast %swap3A_679 : i32 to index
    %swap3A_681 = arith.constant 16 : index
    %swap3A_682 = tpu.vector_load %arg6[%swap3A_680, %swap3A_681] {strides = array<i32>} : memref<128x32xf32, #tpu.memory_space<vmem>>, vector<16xf32>,
    tpu.vector_store %arg6[%swap3A_680, %swap3A_681], %broadcast_in_dim3A_3 {strides = array<i32>} : memref<128x32xf32, #tpu.memory_space<vmem>>, vector<16xf32>,
    %swap3A_683 = arith.constant 85 : i32
    %swap3A_684 = arith.index_cast %swap3A_683 : i32 to index
    %swap3A_685 = arith.constant 0 : index
    %swap3A_686 = tpu.vector_load %arg6[%swap3A_684, %swap3A_685] {strides = array<i32>} : memref<128x32xf32, #tpu.memory_space<vmem>>, vector<16xf32>,
    tpu.vector_store %arg6[%swap3A_684, %swap3A_685], %broadcast_in_dim3A_3 {strides = array<i32>} : memref<128x32xf32, #tpu.memory_space<vmem>>, vector<16xf32>,
    %swap3A_687 = arith.constant 85 : i32
    %swap3A_688 = arith.index_cast %swap3A_687 : i32 to index
    %swap3A_689 = arith.constant 16 : index
    %swap3A_690 = tpu.vector_load %arg6[%swap3A_688, %swap3A_689] {strides = array<i32>} : memref<128x32xf32, #tpu.memory_space<vmem>>, vector<16xf32>,
    tpu.vector_store %arg6[%swap3A_688, %swap3A_689], %broadcast_in_dim3A_3 {strides = array<i32>} : memref<128x32xf32, #tpu.memory_space<vmem>>, vector<16xf32>,
    %swap3A_691 = arith.constant 86 : i32
    %swap3A_692 = arith.index_cast %swap3A_691 : i32 to index
    %swap3A_693 = arith.constant 0 : index
    %swap3A_694 = tpu.vector_load %arg6[%swap3A_692, %swap3A_693] {strides = array<i32>} : memref<128x32xf32, #tpu.memory_space<vmem>>, vector<16xf32>,
    tpu.vector_store %arg6[%swap3A_692, %swap3A_693], %broadcast_in_dim3A_3 {strides = array<i32>} : memref<128x32xf32, #tpu.memory_space<vmem>>, vector<16xf32>,
    %swap3A_695 = arith.constant 86 : i32
    %swap3A_696 = arith.index_cast %swap3A_695 : i32 to index
    %swap3A_697 = arith.constant 16 : index
    %swap3A_698 = tpu.vector_load %arg6[%swap3A_696, %swap3A_697] {strides = array<i32>} : memref<128x32xf32, #tpu.memory_space<vmem>>, vector<16xf32>,
    tpu.vector_store %arg6[%swap3A_696, %swap3A_697], %broadcast_in_dim3A_3 {strides = array<i32>} : memref<128x32xf32, #tpu.memory_space<vmem>>, vector<16xf32>,
    %swap3A_699 = arith.constant 87 : i32
    %swap3A_700 = arith.index_cast %swap3A_699 : i32 to index
    %swap3A_701 = arith.constant 0 : index
    %swap3A_702 = tpu.vector_load %arg6[%swap3A_700, %swap3A_701] {strides = array<i32>} : memref<128x32xf32, #tpu.memory_space<vmem>>, vector<16xf32>,
    tpu.vector_store %arg6[%swap3A_700, %swap3A_701], %broadcast_in_dim3A_3 {strides = array<i32>} : memref<128x32xf32, #tpu.memory_space<vmem>>, vector<16xf32>,
    %swap3A_703 = arith.constant 87 : i32
    %swap3A_704 = arith.index_cast %swap3A_703 : i32 to index
    %swap3A_705 = arith.constant 16 : index
    %swap3A_706 = tpu.vector_load %arg6[%swap3A_704, %swap3A_705] {strides = array<i32>} : memref<128x32xf32, #tpu.memory_space<vmem>>, vector<16xf32>,
    tpu.vector_store %arg6[%swap3A_704, %swap3A_705], %broadcast_in_dim3A_3 {strides = array<i32>} : memref<128x32xf32, #tpu.memory_space<vmem>>, vector<16xf32>,
    %swap3A_707 = arith.constant 88 : i32
    %swap3A_708 = arith.index_cast %swap3A_707 : i32 to index
    %swap3A_709 = arith.constant 0 : index
    %swap3A_710 = tpu.vector_load %arg6[%swap3A_708, %swap3A_709] {strides = array<i32>} : memref<128x32xf32, #tpu.memory_space<vmem>>, vector<16xf32>,
    tpu.vector_store %arg6[%swap3A_708, %swap3A_709], %broadcast_in_dim3A_3 {strides = array<i32>} : memref<128x32xf32, #tpu.memory_space<vmem>>, vector<16xf32>,
    %swap3A_711 = arith.constant 88 : i32
    %swap3A_712 = arith.index_cast %swap3A_711 : i32 to index
    %swap3A_713 = arith.constant 16 : index
    %swap3A_714 = tpu.vector_load %arg6[%swap3A_712, %swap3A_713] {strides = array<i32>} : memref<128x32xf32, #tpu.memory_space<vmem>>, vector<16xf32>,
    tpu.vector_store %arg6[%swap3A_712, %swap3A_713], %broadcast_in_dim3A_3 {strides = array<i32>} : memref<128x32xf32, #tpu.memory_space<vmem>>, vector<16xf32>,
    %swap3A_715 = arith.constant 89 : i32
    %swap3A_716 = arith.index_cast %swap3A_715 : i32 to index
    %swap3A_717 = arith.constant 0 : index
    %swap3A_718 = tpu.vector_load %arg6[%swap3A_716, %swap3A_717] {strides = array<i32>} : memref<128x32xf32, #tpu.memory_space<vmem>>, vector<16xf32>,
    tpu.vector_store %arg6[%swap3A_716, %swap3A_717], %broadcast_in_dim3A_3 {strides = array<i32>} : memref<128x32xf32, #tpu.memory_space<vmem>>, vector<16xf32>,
    %swap3A_719 = arith.constant 89 : i32
    %swap3A_720 = arith.index_cast %swap3A_719 : i32 to index
    %swap3A_721 = arith.constant 16 : index
    %swap3A_722 = tpu.vector_load %arg6[%swap3A_720, %swap3A_721] {strides = array<i32>} : memref<128x32xf32, #tpu.memory_space<vmem>>, vector<16xf32>,
    tpu.vector_store %arg6[%swap3A_720, %swap3A_721], %broadcast_in_dim3A_3 {strides = array<i32>} : memref<128x32xf32, #tpu.memory_space<vmem>>, vector<16xf32>,
    %swap3A_723 = arith.constant 90 : i32
    %swap3A_724 = arith.index_cast %swap3A_723 : i32 to index
    %swap3A_725 = arith.constant 0 : index
    %swap3A_726 = tpu.vector_load %arg6[%swap3A_724, %swap3A_725] {strides = array<i32>} : memref<128x32xf32, #tpu.memory_space<vmem>>, vector<16xf32>,
    tpu.vector_store %arg6[%swap3A_724, %swap3A_725], %broadcast_in_dim3A_3 {strides = array<i32>} : memref<128x32xf32, #tpu.memory_space<vmem>>, vector<16xf32>,
    %swap3A_727 = arith.constant 90 : i32
    %swap3A_728 = arith.index_cast %swap3A_727 : i32 to index
    %swap3A_729 = arith.constant 16 : index
    %swap3A_730 = tpu.vector_load %arg6[%swap3A_728, %swap3A_729] {strides = array<i32>} : memref<128x32xf32, #tpu.memory_space<vmem>>, vector<16xf32>,
    tpu.vector_store %arg6[%swap3A_728, %swap3A_729], %broadcast_in_dim3A_3 {strides = array<i32>} : memref<128x32xf32, #tpu.memory_space<vmem>>, vector<16xf32>,
    %swap3A_731 = arith.constant 91 : i32
    %swap3A_732 = arith.index_cast %swap3A_731 : i32 to index
    %swap3A_733 = arith.constant 0 : index
    %swap3A_734 = tpu.vector_load %arg6[%swap3A_732, %swap3A_733] {strides = array<i32>} : memref<128x32xf32, #tpu.memory_space<vmem>>, vector<16xf32>,
    tpu.vector_store %arg6[%swap3A_732, %swap3A_733], %broadcast_in_dim3A_3 {strides = array<i32>} : memref<128x32xf32, #tpu.memory_space<vmem>>, vector<16xf32>,
    %swap3A_735 = arith.constant 91 : i32
    %swap3A_736 = arith.index_cast %swap3A_735 : i32 to index
    %swap3A_737 = arith.constant 16 : index
    %swap3A_738 = tpu.vector_load %arg6[%swap3A_736, %swap3A_737] {strides = array<i32>} : memref<128x32xf32, #tpu.memory_space<vmem>>, vector<16xf32>,
    tpu.vector_store %arg6[%swap3A_736, %swap3A_737], %broadcast_in_dim3A_3 {strides = array<i32>} : memref<128x32xf32, #tpu.memory_space<vmem>>, vector<16xf32>,
    %swap3A_739 = arith.constant 92 : i32
    %swap3A_740 = arith.index_cast %swap3A_739 : i32 to index
    %swap3A_741 = arith.constant 0 : index
    %swap3A_742 = tpu.vector_load %arg6[%swap3A_740, %swap3A_741] {strides = array<i32>} : memref<128x32xf32, #tpu.memory_space<vmem>>, vector<16xf32>,
    tpu.vector_store %arg6[%swap3A_740, %swap3A_741], %broadcast_in_dim3A_3 {strides = array<i32>} : memref<128x32xf32, #tpu.memory_space<vmem>>, vector<16xf32>,
    %swap3A_743 = arith.constant 92 : i32
    %swap3A_744 = arith.index_cast %swap3A_743 : i32 to index
    %swap3A_745 = arith.constant 16 : index
    %swap3A_746 = tpu.vector_load %arg6[%swap3A_744, %swap3A_745] {strides = array<i32>} : memref<128x32xf32, #tpu.memory_space<vmem>>, vector<16xf32>,
    tpu.vector_store %arg6[%swap3A_744, %swap3A_745], %broadcast_in_dim3A_3 {strides = array<i32>} : memref<128x32xf32, #tpu.memory_space<vmem>>, vector<16xf32>,
    %swap3A_747 = arith.constant 93 : i32
    %swap3A_748 = arith.index_cast %swap3A_747 : i32 to index
    %swap3A_749 = arith.constant 0 : index
    %swap3A_750 = tpu.vector_load %arg6[%swap3A_748, %swap3A_749] {strides = array<i32>} : memref<128x32xf32, #tpu.memory_space<vmem>>, vector<16xf32>,
    tpu.vector_store %arg6[%swap3A_748, %swap3A_749], %broadcast_in_dim3A_3 {strides = array<i32>} : memref<128x32xf32, #tpu.memory_space<vmem>>, vector<16xf32>,
    %swap3A_751 = arith.constant 93 : i32
    %swap3A_752 = arith.index_cast %swap3A_751 : i32 to index
    %swap3A_753 = arith.constant 16 : index
    %swap3A_754 = tpu.vector_load %arg6[%swap3A_752, %swap3A_753] {strides = array<i32>} : memref<128x32xf32, #tpu.memory_space<vmem>>, vector<16xf32>,
    tpu.vector_store %arg6[%swap3A_752, %swap3A_753], %broadcast_in_dim3A_3 {strides = array<i32>} : memref<128x32xf32, #tpu.memory_space<vmem>>, vector<16xf32>,
    %swap3A_755 = arith.constant 94 : i32
    %swap3A_756 = arith.index_cast %swap3A_755 : i32 to index
    %swap3A_757 = arith.constant 0 : index
    %swap3A_758 = tpu.vector_load %arg6[%swap3A_756, %swap3A_757] {strides = array<i32>} : memref<128x32xf32, #tpu.memory_space<vmem>>, vector<16xf32>,
    tpu.vector_store %arg6[%swap3A_756, %swap3A_757], %broadcast_in_dim3A_3 {strides = array<i32>} : memref<128x32xf32, #tpu.memory_space<vmem>>, vector<16xf32>,
    %swap3A_759 = arith.constant 94 : i32
    %swap3A_760 = arith.index_cast %swap3A_759 : i32 to index
    %swap3A_761 = arith.constant 16 : index
    %swap3A_762 = tpu.vector_load %arg6[%swap3A_760, %swap3A_761] {strides = array<i32>} : memref<128x32xf32, #tpu.memory_space<vmem>>, vector<16xf32>,
    tpu.vector_store %arg6[%swap3A_760, %swap3A_761], %broadcast_in_dim3A_3 {strides = array<i32>} : memref<128x32xf32, #tpu.memory_space<vmem>>, vector<16xf32>,
    %swap3A_763 = arith.constant 95 : i32
    %swap3A_764 = arith.index_cast %swap3A_763 : i32 to index
    %swap3A_765 = arith.constant 0 : index
    %swap3A_766 = tpu.vector_load %arg6[%swap3A_764, %swap3A_765] {strides = array<i32>} : memref<128x32xf32, #tpu.memory_space<vmem>>, vector<16xf32>,
    tpu.vector_store %arg6[%swap3A_764, %swap3A_765], %broadcast_in_dim3A_3 {strides = array<i32>} : memref<128x32xf32, #tpu.memory_space<vmem>>, vector<16xf32>,
    %swap3A_767 = arith.constant 95 : i32
    %swap3A_768 = arith.index_cast %swap3A_767 : i32 to index
    %swap3A_769 = arith.constant 16 : index
    %swap3A_770 = tpu.vector_load %arg6[%swap3A_768, %swap3A_769] {strides = array<i32>} : memref<128x32xf32, #tpu.memory_space<vmem>>, vector<16xf32>,
    tpu.vector_store %arg6[%swap3A_768, %swap3A_769], %broadcast_in_dim3A_3 {strides = array<i32>} : memref<128x32xf32, #tpu.memory_space<vmem>>, vector<16xf32>,
    %swap3A_771 = arith.constant 96 : i32
    %swap3A_772 = arith.index_cast %swap3A_771 : i32 to index
    %swap3A_773 = arith.constant 0 : index
    %swap3A_774 = tpu.vector_load %arg6[%swap3A_772, %swap3A_773] {strides = array<i32>} : memref<128x32xf32, #tpu.memory_space<vmem>>, vector<16xf32>,
    tpu.vector_store %arg6[%swap3A_772, %swap3A_773], %broadcast_in_dim3A_3 {strides = array<i32>} : memref<128x32xf32, #tpu.memory_space<vmem>>, vector<16xf32>,
    %swap3A_775 = arith.constant 96 : i32
    %swap3A_776 = arith.index_cast %swap3A_775 : i32 to index
    %swap3A_777 = arith.constant 16 : index
    %swap3A_778 = tpu.vector_load %arg6[%swap3A_776, %swap3A_777] {strides = array<i32>} : memref<128x32xf32, #tpu.memory_space<vmem>>, vector<16xf32>,
    tpu.vector_store %arg6[%swap3A_776, %swap3A_777], %broadcast_in_dim3A_3 {strides = array<i32>} : memref<128x32xf32, #tpu.memory_space<vmem>>, vector<16xf32>,
    %swap3A_779 = arith.constant 97 : i32
    %swap3A_780 = arith.index_cast %swap3A_779 : i32 to index
    %swap3A_781 = arith.constant 0 : index
    %swap3A_782 = tpu.vector_load %arg6[%swap3A_780, %swap3A_781] {strides = array<i32>} : memref<128x32xf32, #tpu.memory_space<vmem>>, vector<16xf32>,
    tpu.vector_store %arg6[%swap3A_780, %swap3A_781], %broadcast_in_dim3A_3 {strides = array<i32>} : memref<128x32xf32, #tpu.memory_space<vmem>>, vector<16xf32>,
    %swap3A_783 = arith.constant 97 : i32
    %swap3A_784 = arith.index_cast %swap3A_783 : i32 to index
    %swap3A_785 = arith.constant 16 : index
    %swap3A_786 = tpu.vector_load %arg6[%swap3A_784, %swap3A_785] {strides = array<i32>} : memref<128x32xf32, #tpu.memory_space<vmem>>, vector<16xf32>,
    tpu.vector_store %arg6[%swap3A_784, %swap3A_785], %broadcast_in_dim3A_3 {strides = array<i32>} : memref<128x32xf32, #tpu.memory_space<vmem>>, vector<16xf32>,
    %swap3A_787 = arith.constant 98 : i32
    %swap3A_788 = arith.index_cast %swap3A_787 : i32 to index
    %swap3A_789 = arith.constant 0 : index
    %swap3A_790 = tpu.vector_load %arg6[%swap3A_788, %swap3A_789] {strides = array<i32>} : memref<128x32xf32, #tpu.memory_space<vmem>>, vector<16xf32>,
    tpu.vector_store %arg6[%swap3A_788, %swap3A_789], %broadcast_in_dim3A_3 {strides = array<i32>} : memref<128x32xf32, #tpu.memory_space<vmem>>, vector<16xf32>,
    %swap3A_791 = arith.constant 98 : i32
    %swap3A_792 = arith.index_cast %swap3A_791 : i32 to index
    %swap3A_793 = arith.constant 16 : index
    %swap3A_794 = tpu.vector_load %arg6[%swap3A_792, %swap3A_793] {strides = array<i32>} : memref<128x32xf32, #tpu.memory_space<vmem>>, vector<16xf32>,
    tpu.vector_store %arg6[%swap3A_792, %swap3A_793], %broadcast_in_dim3A_3 {strides = array<i32>} : memref<128x32xf32, #tpu.memory_space<vmem>>, vector<16xf32>,
    %swap3A_795 = arith.constant 99 : i32
    %swap3A_796 = arith.index_cast %swap3A_795 : i32 to index
    %swap3A_797 = arith.constant 0 : index
    %swap3A_798 = tpu.vector_load %arg6[%swap3A_796, %swap3A_797] {strides = array<i32>} : memref<128x32xf32, #tpu.memory_space<vmem>>, vector<16xf32>,
    tpu.vector_store %arg6[%swap3A_796, %swap3A_797], %broadcast_in_dim3A_3 {strides = array<i32>} : memref<128x32xf32, #tpu.memory_space<vmem>>, vector<16xf32>,
    %swap3A_799 = arith.constant 99 : i32
    %swap3A_800 = arith.index_cast %swap3A_799 : i32 to index
    %swap3A_801 = arith.constant 16 : index
    %swap3A_802 = tpu.vector_load %arg6[%swap3A_800, %swap3A_801] {strides = array<i32>} : memref<128x32xf32, #tpu.memory_space<vmem>>, vector<16xf32>,
    tpu.vector_store %arg6[%swap3A_800, %swap3A_801], %broadcast_in_dim3A_3 {strides = array<i32>} : memref<128x32xf32, #tpu.memory_space<vmem>>, vector<16xf32>,
    %swap3A_803 = arith.constant 100 : i32
    %swap3A_804 = arith.index_cast %swap3A_803 : i32 to index
    %swap3A_805 = arith.constant 0 : index
    %swap3A_806 = tpu.vector_load %arg6[%swap3A_804, %swap3A_805] {strides = array<i32>} : memref<128x32xf32, #tpu.memory_space<vmem>>, vector<16xf32>,
    tpu.vector_store %arg6[%swap3A_804, %swap3A_805], %broadcast_in_dim3A_3 {strides = array<i32>} : memref<128x32xf32, #tpu.memory_space<vmem>>, vector<16xf32>,
    %swap3A_807 = arith.constant 100 : i32
    %swap3A_808 = arith.index_cast %swap3A_807 : i32 to index
    %swap3A_809 = arith.constant 16 : index
    %swap3A_810 = tpu.vector_load %arg6[%swap3A_808, %swap3A_809] {strides = array<i32>} : memref<128x32xf32, #tpu.memory_space<vmem>>, vector<16xf32>,
    tpu.vector_store %arg6[%swap3A_808, %swap3A_809], %broadcast_in_dim3A_3 {strides = array<i32>} : memref<128x32xf32, #tpu.memory_space<vmem>>, vector<16xf32>,
    %swap3A_811 = arith.constant 101 : i32
    %swap3A_812 = arith.index_cast %swap3A_811 : i32 to index
    %swap3A_813 = arith.constant 0 : index
    %swap3A_814 = tpu.vector_load %arg6[%swap3A_812, %swap3A_813] {strides = array<i32>} : memref<128x32xf32, #tpu.memory_space<vmem>>, vector<16xf32>,
    tpu.vector_store %arg6[%swap3A_812, %swap3A_813], %broadcast_in_dim3A_3 {strides = array<i32>} : memref<128x32xf32, #tpu.memory_space<vmem>>, vector<16xf32>,
    %swap3A_815 = arith.constant 101 : i32
    %swap3A_816 = arith.index_cast %swap3A_815 : i32 to index
    %swap3A_817 = arith.constant 16 : index
    %swap3A_818 = tpu.vector_load %arg6[%swap3A_816, %swap3A_817] {strides = array<i32>} : memref<128x32xf32, #tpu.memory_space<vmem>>, vector<16xf32>,
    tpu.vector_store %arg6[%swap3A_816, %swap3A_817], %broadcast_in_dim3A_3 {strides = array<i32>} : memref<128x32xf32, #tpu.memory_space<vmem>>, vector<16xf32>,
    %swap3A_819 = arith.constant 102 : i32
    %swap3A_820 = arith.index_cast %swap3A_819 : i32 to index
    %swap3A_821 = arith.constant 0 : index
    %swap3A_822 = tpu.vector_load %arg6[%swap3A_820, %swap3A_821] {strides = array<i32>} : memref<128x32xf32, #tpu.memory_space<vmem>>, vector<16xf32>,
    tpu.vector_store %arg6[%swap3A_820, %swap3A_821], %broadcast_in_dim3A_3 {strides = array<i32>} : memref<128x32xf32, #tpu.memory_space<vmem>>, vector<16xf32>,
    %swap3A_823 = arith.constant 102 : i32
    %swap3A_824 = arith.index_cast %swap3A_823 : i32 to index
    %swap3A_825 = arith.constant 16 : index
    %swap3A_826 = tpu.vector_load %arg6[%swap3A_824, %swap3A_825] {strides = array<i32>} : memref<128x32xf32, #tpu.memory_space<vmem>>, vector<16xf32>,
    tpu.vector_store %arg6[%swap3A_824, %swap3A_825], %broadcast_in_dim3A_3 {strides = array<i32>} : memref<128x32xf32, #tpu.memory_space<vmem>>, vector<16xf32>,
    %swap3A_827 = arith.constant 103 : i32
    %swap3A_828 = arith.index_cast %swap3A_827 : i32 to index
    %swap3A_829 = arith.constant 0 : index
    %swap3A_830 = tpu.vector_load %arg6[%swap3A_828, %swap3A_829] {strides = array<i32>} : memref<128x32xf32, #tpu.memory_space<vmem>>, vector<16xf32>,
    tpu.vector_store %arg6[%swap3A_828, %swap3A_829], %broadcast_in_dim3A_3 {strides = array<i32>} : memref<128x32xf32, #tpu.memory_space<vmem>>, vector<16xf32>,
    %swap3A_831 = arith.constant 103 : i32
    %swap3A_832 = arith.index_cast %swap3A_831 : i32 to index
    %swap3A_833 = arith.constant 16 : index
    %swap3A_834 = tpu.vector_load %arg6[%swap3A_832, %swap3A_833] {strides = array<i32>} : memref<128x32xf32, #tpu.memory_space<vmem>>, vector<16xf32>,
    tpu.vector_store %arg6[%swap3A_832, %swap3A_833], %broadcast_in_dim3A_3 {strides = array<i32>} : memref<128x32xf32, #tpu.memory_space<vmem>>, vector<16xf32>,
    %swap3A_835 = arith.constant 104 : i32
    %swap3A_836 = arith.index_cast %swap3A_835 : i32 to index
    %swap3A_837 = arith.constant 0 : index
    %swap3A_838 = tpu.vector_load %arg6[%swap3A_836, %swap3A_837] {strides = array<i32>} : memref<128x32xf32, #tpu.memory_space<vmem>>, vector<16xf32>,
    tpu.vector_store %arg6[%swap3A_836, %swap3A_837], %broadcast_in_dim3A_3 {strides = array<i32>} : memref<128x32xf32, #tpu.memory_space<vmem>>, vector<16xf32>,
    %swap3A_839 = arith.constant 104 : i32
    %swap3A_840 = arith.index_cast %swap3A_839 : i32 to index
    %swap3A_841 = arith.constant 16 : index
    %swap3A_842 = tpu.vector_load %arg6[%swap3A_840, %swap3A_841] {strides = array<i32>} : memref<128x32xf32, #tpu.memory_space<vmem>>, vector<16xf32>,
    tpu.vector_store %arg6[%swap3A_840, %swap3A_841], %broadcast_in_dim3A_3 {strides = array<i32>} : memref<128x32xf32, #tpu.memory_space<vmem>>, vector<16xf32>,
    %swap3A_843 = arith.constant 105 : i32
    %swap3A_844 = arith.index_cast %swap3A_843 : i32 to index
    %swap3A_845 = arith.constant 0 : index
    %swap3A_846 = tpu.vector_load %arg6[%swap3A_844, %swap3A_845] {strides = array<i32>} : memref<128x32xf32, #tpu.memory_space<vmem>>, vector<16xf32>,
    tpu.vector_store %arg6[%swap3A_844, %swap3A_845], %broadcast_in_dim3A_3 {strides = array<i32>} : memref<128x32xf32, #tpu.memory_space<vmem>>, vector<16xf32>,
    %swap3A_847 = arith.constant 105 : i32
    %swap3A_848 = arith.index_cast %swap3A_847 : i32 to index
    %swap3A_849 = arith.constant 16 : index
    %swap3A_850 = tpu.vector_load %arg6[%swap3A_848, %swap3A_849] {strides = array<i32>} : memref<128x32xf32, #tpu.memory_space<vmem>>, vector<16xf32>,
    tpu.vector_store %arg6[%swap3A_848, %swap3A_849], %broadcast_in_dim3A_3 {strides = array<i32>} : memref<128x32xf32, #tpu.memory_space<vmem>>, vector<16xf32>,
    %swap3A_851 = arith.constant 106 : i32
    %swap3A_852 = arith.index_cast %swap3A_851 : i32 to index
    %swap3A_853 = arith.constant 0 : index
    %swap3A_854 = tpu.vector_load %arg6[%swap3A_852, %swap3A_853] {strides = array<i32>} : memref<128x32xf32, #tpu.memory_space<vmem>>, vector<16xf32>,
    tpu.vector_store %arg6[%swap3A_852, %swap3A_853], %broadcast_in_dim3A_3 {strides = array<i32>} : memref<128x32xf32, #tpu.memory_space<vmem>>, vector<16xf32>,
    %swap3A_855 = arith.constant 106 : i32
    %swap3A_856 = arith.index_cast %swap3A_855 : i32 to index
    %swap3A_857 = arith.constant 16 : index
    %swap3A_858 = tpu.vector_load %arg6[%swap3A_856, %swap3A_857] {strides = array<i32>} : memref<128x32xf32, #tpu.memory_space<vmem>>, vector<16xf32>,
    tpu.vector_store %arg6[%swap3A_856, %swap3A_857], %broadcast_in_dim3A_3 {strides = array<i32>} : memref<128x32xf32, #tpu.memory_space<vmem>>, vector<16xf32>,
    %swap3A_859 = arith.constant 107 : i32
    %swap3A_860 = arith.index_cast %swap3A_859 : i32 to index
    %swap3A_861 = arith.constant 0 : index
    %swap3A_862 = tpu.vector_load %arg6[%swap3A_860, %swap3A_861] {strides = array<i32>} : memref<128x32xf32, #tpu.memory_space<vmem>>, vector<16xf32>,
    tpu.vector_store %arg6[%swap3A_860, %swap3A_861], %broadcast_in_dim3A_3 {strides = array<i32>} : memref<128x32xf32, #tpu.memory_space<vmem>>, vector<16xf32>,
    %swap3A_863 = arith.constant 107 : i32
    %swap3A_864 = arith.index_cast %swap3A_863 : i32 to index
    %swap3A_865 = arith.constant 16 : index
    %swap3A_866 = tpu.vector_load %arg6[%swap3A_864, %swap3A_865] {strides = array<i32>} : memref<128x32xf32, #tpu.memory_space<vmem>>, vector<16xf32>,
    tpu.vector_store %arg6[%swap3A_864, %swap3A_865], %broadcast_in_dim3A_3 {strides = array<i32>} : memref<128x32xf32, #tpu.memory_space<vmem>>, vector<16xf32>,
    %swap3A_867 = arith.constant 108 : i32
    %swap3A_868 = arith.index_cast %swap3A_867 : i32 to index
    %swap3A_869 = arith.constant 0 : index
    %swap3A_870 = tpu.vector_load %arg6[%swap3A_868, %swap3A_869] {strides = array<i32>} : memref<128x32xf32, #tpu.memory_space<vmem>>, vector<16xf32>,
    tpu.vector_store %arg6[%swap3A_868, %swap3A_869], %broadcast_in_dim3A_3 {strides = array<i32>} : memref<128x32xf32, #tpu.memory_space<vmem>>, vector<16xf32>,
    %swap3A_871 = arith.constant 108 : i32
    %swap3A_872 = arith.index_cast %swap3A_871 : i32 to index
    %swap3A_873 = arith.constant 16 : index
    %swap3A_874 = tpu.vector_load %arg6[%swap3A_872, %swap3A_873] {strides = array<i32>} : memref<128x32xf32, #tpu.memory_space<vmem>>, vector<16xf32>,
    tpu.vector_store %arg6[%swap3A_872, %swap3A_873], %broadcast_in_dim3A_3 {strides = array<i32>} : memref<128x32xf32, #tpu.memory_space<vmem>>, vector<16xf32>,
    %swap3A_875 = arith.constant 109 : i32
    %swap3A_876 = arith.index_cast %swap3A_875 : i32 to index
    %swap3A_877 = arith.constant 0 : index
    %swap3A_878 = tpu.vector_load %arg6[%swap3A_876, %swap3A_877] {strides = array<i32>} : memref<128x32xf32, #tpu.memory_space<vmem>>, vector<16xf32>,
    tpu.vector_store %arg6[%swap3A_876, %swap3A_877], %broadcast_in_dim3A_3 {strides = array<i32>} : memref<128x32xf32, #tpu.memory_space<vmem>>, vector<16xf32>,
    %swap3A_879 = arith.constant 109 : i32
    %swap3A_880 = arith.index_cast %swap3A_879 : i32 to index
    %swap3A_881 = arith.constant 16 : index
    %swap3A_882 = tpu.vector_load %arg6[%swap3A_880, %swap3A_881] {strides = array<i32>} : memref<128x32xf32, #tpu.memory_space<vmem>>, vector<16xf32>,
    tpu.vector_store %arg6[%swap3A_880, %swap3A_881], %broadcast_in_dim3A_3 {strides = array<i32>} : memref<128x32xf32, #tpu.memory_space<vmem>>, vector<16xf32>,
    %swap3A_883 = arith.constant 110 : i32
    %swap3A_884 = arith.index_cast %swap3A_883 : i32 to index
    %swap3A_885 = arith.constant 0 : index
    %swap3A_886 = tpu.vector_load %arg6[%swap3A_884, %swap3A_885] {strides = array<i32>} : memref<128x32xf32, #tpu.memory_space<vmem>>, vector<16xf32>,
    tpu.vector_store %arg6[%swap3A_884, %swap3A_885], %broadcast_in_dim3A_3 {strides = array<i32>} : memref<128x32xf32, #tpu.memory_space<vmem>>, vector<16xf32>,
    %swap3A_887 = arith.constant 110 : i32
    %swap3A_888 = arith.index_cast %swap3A_887 : i32 to index
    %swap3A_889 = arith.constant 16 : index
    %swap3A_890 = tpu.vector_load %arg6[%swap3A_888, %swap3A_889] {strides = array<i32>} : memref<128x32xf32, #tpu.memory_space<vmem>>, vector<16xf32>,
    tpu.vector_store %arg6[%swap3A_888, %swap3A_889], %broadcast_in_dim3A_3 {strides = array<i32>} : memref<128x32xf32, #tpu.memory_space<vmem>>, vector<16xf32>,
    %swap3A_891 = arith.constant 111 : i32
    %swap3A_892 = arith.index_cast %swap3A_891 : i32 to index
    %swap3A_893 = arith.constant 0 : index
    %swap3A_894 = tpu.vector_load %arg6[%swap3A_892, %swap3A_893] {strides = array<i32>} : memref<128x32xf32, #tpu.memory_space<vmem>>, vector<16xf32>,
    tpu.vector_store %arg6[%swap3A_892, %swap3A_893], %broadcast_in_dim3A_3 {strides = array<i32>} : memref<128x32xf32, #tpu.memory_space<vmem>>, vector<16xf32>,
    %swap3A_895 = arith.constant 111 : i32
    %swap3A_896 = arith.index_cast %swap3A_895 : i32 to index
    %swap3A_897 = arith.constant 16 : index
    %swap3A_898 = tpu.vector_load %arg6[%swap3A_896, %swap3A_897] {strides = array<i32>} : memref<128x32xf32, #tpu.memory_space<vmem>>, vector<16xf32>,
    tpu.vector_store %arg6[%swap3A_896, %swap3A_897], %broadcast_in_dim3A_3 {strides = array<i32>} : memref<128x32xf32, #tpu.memory_space<vmem>>, vector<16xf32>,
    %swap3A_899 = arith.constant 112 : i32
    %swap3A_900 = arith.index_cast %swap3A_899 : i32 to index
    %swap3A_901 = arith.constant 0 : index
    %swap3A_902 = tpu.vector_load %arg6[%swap3A_900, %swap3A_901] {strides = array<i32>} : memref<128x32xf32, #tpu.memory_space<vmem>>, vector<16xf32>,
    tpu.vector_store %arg6[%swap3A_900, %swap3A_901], %broadcast_in_dim3A_3 {strides = array<i32>} : memref<128x32xf32, #tpu.memory_space<vmem>>, vector<16xf32>,
    %swap3A_903 = arith.constant 112 : i32
    %swap3A_904 = arith.index_cast %swap3A_903 : i32 to index
    %swap3A_905 = arith.constant 16 : index
    %swap3A_906 = tpu.vector_load %arg6[%swap3A_904, %swap3A_905] {strides = array<i32>} : memref<128x32xf32, #tpu.memory_space<vmem>>, vector<16xf32>,
    tpu.vector_store %arg6[%swap3A_904, %swap3A_905], %broadcast_in_dim3A_3 {strides = array<i32>} : memref<128x32xf32, #tpu.memory_space<vmem>>, vector<16xf32>,
    %swap3A_907 = arith.constant 113 : i32
    %swap3A_908 = arith.index_cast %swap3A_907 : i32 to index
    %swap3A_909 = arith.constant 0 : index
    %swap3A_910 = tpu.vector_load %arg6[%swap3A_908, %swap3A_909] {strides = array<i32>} : memref<128x32xf32, #tpu.memory_space<vmem>>, vector<16xf32>,
    tpu.vector_store %arg6[%swap3A_908, %swap3A_909], %broadcast_in_dim3A_3 {strides = array<i32>} : memref<128x32xf32, #tpu.memory_space<vmem>>, vector<16xf32>,
    %swap3A_911 = arith.constant 113 : i32
    %swap3A_912 = arith.index_cast %swap3A_911 : i32 to index
    %swap3A_913 = arith.constant 16 : index
    %swap3A_914 = tpu.vector_load %arg6[%swap3A_912, %swap3A_913] {strides = array<i32>} : memref<128x32xf32, #tpu.memory_space<vmem>>, vector<16xf32>,
    tpu.vector_store %arg6[%swap3A_912, %swap3A_913], %broadcast_in_dim3A_3 {strides = array<i32>} : memref<128x32xf32, #tpu.memory_space<vmem>>, vector<16xf32>,
    %swap3A_915 = arith.constant 114 : i32
    %swap3A_916 = arith.index_cast %swap3A_915 : i32 to index
    %swap3A_917 = arith.constant 0 : index
    %swap3A_918 = tpu.vector_load %arg6[%swap3A_916, %swap3A_917] {strides = array<i32>} : memref<128x32xf32, #tpu.memory_space<vmem>>, vector<16xf32>,
    tpu.vector_store %arg6[%swap3A_916, %swap3A_917], %broadcast_in_dim3A_3 {strides = array<i32>} : memref<128x32xf32, #tpu.memory_space<vmem>>, vector<16xf32>,
    %swap3A_919 = arith.constant 114 : i32
    %swap3A_920 = arith.index_cast %swap3A_919 : i32 to index
    %swap3A_921 = arith.constant 16 : index
    %swap3A_922 = tpu.vector_load %arg6[%swap3A_920, %swap3A_921] {strides = array<i32>} : memref<128x32xf32, #tpu.memory_space<vmem>>, vector<16xf32>,
    tpu.vector_store %arg6[%swap3A_920, %swap3A_921], %broadcast_in_dim3A_3 {strides = array<i32>} : memref<128x32xf32, #tpu.memory_space<vmem>>, vector<16xf32>,
    %swap3A_923 = arith.constant 115 : i32
    %swap3A_924 = arith.index_cast %swap3A_923 : i32 to index
    %swap3A_925 = arith.constant 0 : index
    %swap3A_926 = tpu.vector_load %arg6[%swap3A_924, %swap3A_925] {strides = array<i32>} : memref<128x32xf32, #tpu.memory_space<vmem>>, vector<16xf32>,
    tpu.vector_store %arg6[%swap3A_924, %swap3A_925], %broadcast_in_dim3A_3 {strides = array<i32>} : memref<128x32xf32, #tpu.memory_space<vmem>>, vector<16xf32>,
    %swap3A_927 = arith.constant 115 : i32
    %swap3A_928 = arith.index_cast %swap3A_927 : i32 to index
    %swap3A_929 = arith.constant 16 : index
    %swap3A_930 = tpu.vector_load %arg6[%swap3A_928, %swap3A_929] {strides = array<i32>} : memref<128x32xf32, #tpu.memory_space<vmem>>, vector<16xf32>,
    tpu.vector_store %arg6[%swap3A_928, %swap3A_929], %broadcast_in_dim3A_3 {strides = array<i32>} : memref<128x32xf32, #tpu.memory_space<vmem>>, vector<16xf32>,
    %swap3A_931 = arith.constant 116 : i32
    %swap3A_932 = arith.index_cast %swap3A_931 : i32 to index
    %swap3A_933 = arith.constant 0 : index
    %swap3A_934 = tpu.vector_load %arg6[%swap3A_932, %swap3A_933] {strides = array<i32>} : memref<128x32xf32, #tpu.memory_space<vmem>>, vector<16xf32>,
    tpu.vector_store %arg6[%swap3A_932, %swap3A_933], %broadcast_in_dim3A_3 {strides = array<i32>} : memref<128x32xf32, #tpu.memory_space<vmem>>, vector<16xf32>,
    %swap3A_935 = arith.constant 116 : i32
    %swap3A_936 = arith.index_cast %swap3A_935 : i32 to index
    %swap3A_937 = arith.constant 16 : index
    %swap3A_938 = tpu.vector_load %arg6[%swap3A_936, %swap3A_937] {strides = array<i32>} : memref<128x32xf32, #tpu.memory_space<vmem>>, vector<16xf32>,
    tpu.vector_store %arg6[%swap3A_936, %swap3A_937], %broadcast_in_dim3A_3 {strides = array<i32>} : memref<128x32xf32, #tpu.memory_space<vmem>>, vector<16xf32>,
    %swap3A_939 = arith.constant 117 : i32
    %swap3A_940 = arith.index_cast %swap3A_939 : i32 to index
    %swap3A_941 = arith.constant 0 : index
    %swap3A_942 = tpu.vector_load %arg6[%swap3A_940, %swap3A_941] {strides = array<i32>} : memref<128x32xf32, #tpu.memory_space<vmem>>, vector<16xf32>,
    tpu.vector_store %arg6[%swap3A_940, %swap3A_941], %broadcast_in_dim3A_3 {strides = array<i32>} : memref<128x32xf32, #tpu.memory_space<vmem>>, vector<16xf32>,
    %swap3A_943 = arith.constant 117 : i32
    %swap3A_944 = arith.index_cast %swap3A_943 : i32 to index
    %swap3A_945 = arith.constant 16 : index
    %swap3A_946 = tpu.vector_load %arg6[%swap3A_944, %swap3A_945] {strides = array<i32>} : memref<128x32xf32, #tpu.memory_space<vmem>>, vector<16xf32>,
    tpu.vector_store %arg6[%swap3A_944, %swap3A_945], %broadcast_in_dim3A_3 {strides = array<i32>} : memref<128x32xf32, #tpu.memory_space<vmem>>, vector<16xf32>,
    %swap3A_947 = arith.constant 118 : i32
    %swap3A_948 = arith.index_cast %swap3A_947 : i32 to index
    %swap3A_949 = arith.constant 0 : index
    %swap3A_950 = tpu.vector_load %arg6[%swap3A_948, %swap3A_949] {strides = array<i32>} : memref<128x32xf32, #tpu.memory_space<vmem>>, vector<16xf32>,
    tpu.vector_store %arg6[%swap3A_948, %swap3A_949], %broadcast_in_dim3A_3 {strides = array<i32>} : memref<128x32xf32, #tpu.memory_space<vmem>>, vector<16xf32>,
    %swap3A_951 = arith.constant 118 : i32
    %swap3A_952 = arith.index_cast %swap3A_951 : i32 to index
    %swap3A_953 = arith.constant 16 : index
    %swap3A_954 = tpu.vector_load %arg6[%swap3A_952, %swap3A_953] {strides = array<i32>} : memref<128x32xf32, #tpu.memory_space<vmem>>, vector<16xf32>,
    tpu.vector_store %arg6[%swap3A_952, %swap3A_953], %broadcast_in_dim3A_3 {strides = array<i32>} : memref<128x32xf32, #tpu.memory_space<vmem>>, vector<16xf32>,
    %swap3A_955 = arith.constant 119 : i32
    %swap3A_956 = arith.index_cast %swap3A_955 : i32 to index
    %swap3A_957 = arith.constant 0 : index
    %swap3A_958 = tpu.vector_load %arg6[%swap3A_956, %swap3A_957] {strides = array<i32>} : memref<128x32xf32, #tpu.memory_space<vmem>>, vector<16xf32>,
    tpu.vector_store %arg6[%swap3A_956, %swap3A_957], %broadcast_in_dim3A_3 {strides = array<i32>} : memref<128x32xf32, #tpu.memory_space<vmem>>, vector<16xf32>,
    %swap3A_959 = arith.constant 119 : i32
    %swap3A_960 = arith.index_cast %swap3A_959 : i32 to index
    %swap3A_961 = arith.constant 16 : index
    %swap3A_962 = tpu.vector_load %arg6[%swap3A_960, %swap3A_961] {strides = array<i32>} : memref<128x32xf32, #tpu.memory_space<vmem>>, vector<16xf32>,
    tpu.vector_store %arg6[%swap3A_960, %swap3A_961], %broadcast_in_dim3A_3 {strides = array<i32>} : memref<128x32xf32, #tpu.memory_space<vmem>>, vector<16xf32>,
    %swap3A_963 = arith.constant 120 : i32
    %swap3A_964 = arith.index_cast %swap3A_963 : i32 to index
    %swap3A_965 = arith.constant 0 : index
    %swap3A_966 = tpu.vector_load %arg6[%swap3A_964, %swap3A_965] {strides = array<i32>} : memref<128x32xf32, #tpu.memory_space<vmem>>, vector<16xf32>,
    tpu.vector_store %arg6[%swap3A_964, %swap3A_965], %broadcast_in_dim3A_3 {strides = array<i32>} : memref<128x32xf32, #tpu.memory_space<vmem>>, vector<16xf32>,
    %swap3A_967 = arith.constant 120 : i32
    %swap3A_968 = arith.index_cast %swap3A_967 : i32 to index
    %swap3A_969 = arith.constant 16 : index
    %swap3A_970 = tpu.vector_load %arg6[%swap3A_968, %swap3A_969] {strides = array<i32>} : memref<128x32xf32, #tpu.memory_space<vmem>>, vector<16xf32>,
    tpu.vector_store %arg6[%swap3A_968, %swap3A_969], %broadcast_in_dim3A_3 {strides = array<i32>} : memref<128x32xf32, #tpu.memory_space<vmem>>, vector<16xf32>,
    %swap3A_971 = arith.constant 121 : i32
    %swap3A_972 = arith.index_cast %swap3A_971 : i32 to index
    %swap3A_973 = arith.constant 0 : index
    %swap3A_974 = tpu.vector_load %arg6[%swap3A_972, %swap3A_973] {strides = array<i32>} : memref<128x32xf32, #tpu.memory_space<vmem>>, vector<16xf32>,
    tpu.vector_store %arg6[%swap3A_972, %swap3A_973], %broadcast_in_dim3A_3 {strides = array<i32>} : memref<128x32xf32, #tpu.memory_space<vmem>>, vector<16xf32>,
    %swap3A_975 = arith.constant 121 : i32
    %swap3A_976 = arith.index_cast %swap3A_975 : i32 to index
    %swap3A_977 = arith.constant 16 : index
    %swap3A_978 = tpu.vector_load %arg6[%swap3A_976, %swap3A_977] {strides = array<i32>} : memref<128x32xf32, #tpu.memory_space<vmem>>, vector<16xf32>,
    tpu.vector_store %arg6[%swap3A_976, %swap3A_977], %broadcast_in_dim3A_3 {strides = array<i32>} : memref<128x32xf32, #tpu.memory_space<vmem>>, vector<16xf32>,
    %swap3A_979 = arith.constant 122 : i32
    %swap3A_980 = arith.index_cast %swap3A_979 : i32 to index
    %swap3A_981 = arith.constant 0 : index
    %swap3A_982 = tpu.vector_load %arg6[%swap3A_980, %swap3A_981] {strides = array<i32>} : memref<128x32xf32, #tpu.memory_space<vmem>>, vector<16xf32>,
    tpu.vector_store %arg6[%swap3A_980, %swap3A_981], %broadcast_in_dim3A_3 {strides = array<i32>} : memref<128x32xf32, #tpu.memory_space<vmem>>, vector<16xf32>,
    %swap3A_983 = arith.constant 122 : i32
    %swap3A_984 = arith.index_cast %swap3A_983 : i32 to index
    %swap3A_985 = arith.constant 16 : index
    %swap3A_986 = tpu.vector_load %arg6[%swap3A_984, %swap3A_985] {strides = array<i32>} : memref<128x32xf32, #tpu.memory_space<vmem>>, vector<16xf32>,
    tpu.vector_store %arg6[%swap3A_984, %swap3A_985], %broadcast_in_dim3A_3 {strides = array<i32>} : memref<128x32xf32, #tpu.memory_space<vmem>>, vector<16xf32>,
    %swap3A_987 = arith.constant 123 : i32
    %swap3A_988 = arith.index_cast %swap3A_987 : i32 to index
    %swap3A_989 = arith.constant 0 : index
    %swap3A_990 = tpu.vector_load %arg6[%swap3A_988, %swap3A_989] {strides = array<i32>} : memref<128x32xf32, #tpu.memory_space<vmem>>, vector<16xf32>,
    tpu.vector_store %arg6[%swap3A_988, %swap3A_989], %broadcast_in_dim3A_3 {strides = array<i32>} : memref<128x32xf32, #tpu.memory_space<vmem>>, vector<16xf32>,
    %swap3A_991 = arith.constant 123 : i32
    %swap3A_992 = arith.index_cast %swap3A_991 : i32 to index
    %swap3A_993 = arith.constant 16 : index
    %swap3A_994 = tpu.vector_load %arg6[%swap3A_992, %swap3A_993] {strides = array<i32>} : memref<128x32xf32, #tpu.memory_space<vmem>>, vector<16xf32>,
    tpu.vector_store %arg6[%swap3A_992, %swap3A_993], %broadcast_in_dim3A_3 {strides = array<i32>} : memref<128x32xf32, #tpu.memory_space<vmem>>, vector<16xf32>,
    %swap3A_995 = arith.constant 124 : i32
    %swap3A_996 = arith.index_cast %swap3A_995 : i32 to index
    %swap3A_997 = arith.constant 0 : index
    %swap3A_998 = tpu.vector_load %arg6[%swap3A_996, %swap3A_997] {strides = array<i32>} : memref<128x32xf32, #tpu.memory_space<vmem>>, vector<16xf32>,
    tpu.vector_store %arg6[%swap3A_996, %swap3A_997], %broadcast_in_dim3A_3 {strides = array<i32>} : memref<128x32xf32, #tpu.memory_space<vmem>>, vector<16xf32>,
    %swap3A_999 = arith.constant 124 : i32
    %swap3A_1000 = arith.index_cast %swap3A_999 : i32 to index
    %swap3A_1001 = arith.constant 16 : index
    %swap3A_1002 = tpu.vector_load %arg6[%swap3A_1000, %swap3A_1001] {strides = array<i32>} : memref<128x32xf32, #tpu.memory_space<vmem>>, vector<16xf32>,
    tpu.vector_store %arg6[%swap3A_1000, %swap3A_1001], %broadcast_in_dim3A_3 {strides = array<i32>} : memref<128x32xf32, #tpu.memory_space<vmem>>, vector<16xf32>,
    %swap3A_1003 = arith.constant 125 : i32
    %swap3A_1004 = arith.index_cast %swap3A_1003 : i32 to index
    %swap3A_1005 = arith.constant 0 : index
    %swap3A_1006 = tpu.vector_load %arg6[%swap3A_1004, %swap3A_1005] {strides = array<i32>} : memref<128x32xf32, #tpu.memory_space<vmem>>, vector<16xf32>,
    tpu.vector_store %arg6[%swap3A_1004, %swap3A_1005], %broadcast_in_dim3A_3 {strides = array<i32>} : memref<128x32xf32, #tpu.memory_space<vmem>>, vector<16xf32>,
    %swap3A_1007 = arith.constant 125 : i32
    %swap3A_1008 = arith.index_cast %swap3A_1007 : i32 to index
    %swap3A_1009 = arith.constant 16 : index
    %swap3A_1010 = tpu.vector_load %arg6[%swap3A_1008, %swap3A_1009] {strides = array<i32>} : memref<128x32xf32, #tpu.memory_space<vmem>>, vector<16xf32>,
    tpu.vector_store %arg6[%swap3A_1008, %swap3A_1009], %broadcast_in_dim3A_3 {strides = array<i32>} : memref<128x32xf32, #tpu.memory_space<vmem>>, vector<16xf32>,
    %swap3A_1011 = arith.constant 126 : i32
    %swap3A_1012 = arith.index_cast %swap3A_1011 : i32 to index
    %swap3A_1013 = arith.constant 0 : index
    %swap3A_1014 = tpu.vector_load %arg6[%swap3A_1012, %swap3A_1013] {strides = array<i32>} : memref<128x32xf32, #tpu.memory_space<vmem>>, vector<16xf32>,
    tpu.vector_store %arg6[%swap3A_1012, %swap3A_1013], %broadcast_in_dim3A_3 {strides = array<i32>} : memref<128x32xf32, #tpu.memory_space<vmem>>, vector<16xf32>,
    %swap3A_1015 = arith.constant 126 : i32
    %swap3A_1016 = arith.index_cast %swap3A_1015 : i32 to index
    %swap3A_1017 = arith.constant 16 : index
    %swap3A_1018 = tpu.vector_load %arg6[%swap3A_1016, %swap3A_1017] {strides = array<i32>} : memref<128x32xf32, #tpu.memory_space<vmem>>, vector<16xf32>,
    tpu.vector_store %arg6[%swap3A_1016, %swap3A_1017], %broadcast_in_dim3A_3 {strides = array<i32>} : memref<128x32xf32, #tpu.memory_space<vmem>>, vector<16xf32>,
    %swap3A_1019 = arith.constant 127 : i32
    %swap3A_1020 = arith.index_cast %swap3A_1019 : i32 to index
    %swap3A_1021 = arith.constant 0 : index
    %swap3A_1022 = tpu.vector_load %arg6[%swap3A_1020, %swap3A_1021] {strides = array<i32>} : memref<128x32xf32, #tpu.memory_space<vmem>>, vector<16xf32>,
    tpu.vector_store %arg6[%swap3A_1020, %swap3A_1021], %broadcast_in_dim3A_3 {strides = array<i32>} : memref<128x32xf32, #tpu.memory_space<vmem>>, vector<16xf32>,
    %swap3A_1023 = arith.constant 127 : i32
    %swap3A_1024 = arith.index_cast %swap3A_1023 : i32 to index
    %swap3A_1025 = arith.constant 16 : index
    %swap3A_1026 = tpu.vector_load %arg6[%swap3A_1024, %swap3A_1025] {strides = array<i32>} : memref<128x32xf32, #tpu.memory_space<vmem>>, vector<16xf32>,
    tpu.vector_store %arg6[%swap3A_1024, %swap3A_1025], %broadcast_in_dim3A_3 {strides = array<i32>} : memref<128x32xf32, #tpu.memory_space<vmem>>, vector<16xf32>,
    %scan3A = arith.constant 0 : i32
    %scan3A_1027 = arith.constant 200 : i32
    %scan3A_1028 = arith.addi %scan3A, %scan3A_1027 : i32
    %scan3A_1029 = arith.constant 1 : i32
    scf.for %scan3A_1038 = %scan3A to %scan3A_1028 step %scan3A_1029  : i32 {
      %mul3A_1039 = arith.constant 1 : i32
      %mul3A_1040 = arith.muli %scan3A_1038, %mul3A_1039 : i32
      %add3A_1041 = arith.constant 0 : i32
      %add3A_1042 = arith.addi %add3A_1041, %mul3A_1040 : i32
      %dma_start3A = arith.constant 0 : i32
      %dma_start3A_1043 = tpu.memref_slice %arg5[%add3A_1042, %dma_start3A] : memref<200x128xi32, #tpu.memory_space<vmem>> -> memref<1x128xi32, #tpu.memory_space<vmem>>
      %dma_start3A_1044 = tpu.memref_squeeze %dma_start3A_1043 : memref<1x128xi32, #tpu.memory_space<vmem>> -> memref<128xi32, #tpu.memory_space<vmem>>
      %dma_start3A_1045 = arith.constant 0 : i32
      %dma_start3A_1046 = arith.constant 0 : i32
      %dma_start3A_1047 = tpu.memref_slice %arg3[%dma_start3A_1045, %dma_start3A_1046] : memref<1000000x32xf32, #tpu.memory_space<hbm>> -> memref<1000000x32xf32, #tpu.memory_space<hbm>>
      tpu.enqueue_indirect_dma source(%dma_start3A_1047 : memref<1000000x32xf32, #tpu.memory_space<hbm>>) target(%arg6 : memref<128x32xf32, #tpu.memory_space<vmem>>) offsets(%dma_start3A_1044 : memref<128xi32, #tpu.memory_space<vmem>>) semaphore(%arg7 : memref<!tpu.dma_semaphore, #tpu.memory_space<semaphore_mem>>) {add = true}
    }
    %scan3A_1030 = arith.constant 200 : i32
    %scan3A_1031 = arith.constant 0 : i32
    %scan3A_1032 = arith.constant 200 : i32
    %scan3A_1033 = arith.addi %scan3A_1031, %scan3A_1032 : i32
    %scan3A_1034 = arith.constant 1 : i32
    scf.for %scan3A_1038 = %scan3A_1031 to %scan3A_1033 step %scan3A_1034  : i32 {
      %mul3A_1039 = arith.constant 1 : i32
      %mul3A_1040 = arith.muli %scan3A_1038, %mul3A_1039 : i32
      %add3A_1041 = arith.constant 0 : i32
      %add3A_1042 = arith.addi %add3A_1041, %mul3A_1040 : i32
      %dma_wait3A = arith.constant 0 : i32
      %dma_wait3A_1043 = arith.constant 0 : i32
      %dma_wait3A_1044 = tpu.memref_slice %arg5[%dma_wait3A, %dma_wait3A_1043] : memref<200x128xi32, #tpu.memory_space<vmem>> -> memref<1x128xi32, #tpu.memory_space<vmem>>
      %dma_wait3A_1045 = tpu.memref_squeeze %dma_wait3A_1044 : memref<1x128xi32, #tpu.memory_space<vmem>> -> memref<128xi32, #tpu.memory_space<vmem>>
      %dma_wait3A_1046 = arith.constant 0 : i32
      %dma_wait3A_1047 = arith.constant 0 : i32
      %dma_wait3A_1048 = tpu.memref_slice %arg3[%dma_wait3A_1046, %dma_wait3A_1047] : memref<1000000x32xf32, #tpu.memory_space<hbm>> -> memref<1000000x32xf32, #tpu.memory_space<hbm>>
      tpu.wait_indirect_dma semaphore(%arg7 : memref<!tpu.dma_semaphore, #tpu.memory_space<semaphore_mem>>) src(%dma_wait3A_1048 : memref<1000000x32xf32, #tpu.memory_space<hbm>>) dst(%arg6 : memref<128x32xf32, #tpu.memory_space<vmem>>)
    }
    %scan3A_1035 = arith.constant 200 : i32
    %mul3A_1036 = arith.constant 128 : i32
    %mul3A_1037 = arith.muli %add3A, %mul3A_1036 : i32
    "tpu.region"() ({
      %run_scoped3A = tpu.sem_alloc : memref<!tpu.dma_semaphore, #tpu.memory_space<semaphore_mem>>
      %dma_start3A = arith.constant 0 : i32
      %dma_start3A_1038 = tpu.memref_slice %arg4[%mul3A_1037, %dma_start3A] : memref<4096x32xf32, #tpu.memory_space<hbm>> -> memref<128x32xf32, #tpu.memory_space<hbm>>
      %dma_start3A_1039 = arith.constant 0 : i32
      %dma_start3A_1040 = tpu.memref_slice %arg4[%mul3A_1037, %dma_start3A_1039] : memref<4096x32xf32, #tpu.memory_space<hbm>> -> memref<128x32xf32, #tpu.memory_space<hbm>>
      tpu.enqueue_dma source(%arg6 : memref<128x32xf32, #tpu.memory_space<vmem>>) target(%dma_start3A_1040 : memref<128x32xf32, #tpu.memory_space<hbm>>) target_semaphore(%run_scoped3A : memref<!tpu.dma_semaphore, #tpu.memory_space<semaphore_mem>>)
      %dma_wait3A = arith.constant 0 : i32
      %dma_wait3A_1041 = tpu.memref_slice %arg4[%mul3A_1037, %dma_wait3A] : memref<4096x32xf32, #tpu.memory_space<hbm>> -> memref<128x32xf32, #tpu.memory_space<hbm>>
      %dma_wait3A_1042 = arith.constant 0 : i32
      %dma_wait3A_1043 = tpu.memref_slice %arg4[%mul3A_1037, %dma_wait3A_1042] : memref<4096x32xf32, #tpu.memory_space<hbm>> -> memref<128x32xf32, #tpu.memory_space<hbm>>
      tpu.wait_dma2 semaphore(%run_scoped3A : memref<!tpu.dma_semaphore, #tpu.memory_space<semaphore_mem>>) src(%arg6 : memref<128x32xf32, #tpu.memory_space<vmem>>) dst(%dma_wait3A_1043 : memref<128x32xf32, #tpu.memory_space<hbm>>)
      tpu.yield
    }) : () -> ()
    return
  }
}

module attributes {stable_mosaic.version = 14 : i64} {
  func.func @_xt_body(%arg0: i32, %arg1: memref<128x200xi32, #tpu.memory_space<vmem>>, %arg2: memref<200x128xi32, #tpu.memory_space<vmem>>) attributes {dimension_semantics = [#tpu.dimension_semantics<arbitrary>], iteration_bounds = array<i64: 32>, scalar_prefetch = 0 : i64, scratch_operands = 0 : i64, tpu.core_type = #tpu.core_type<tc>, window_params = [{transform_indices = @transform_0, window_bounds = array<i64: 128, 200>}, {transform_indices = @transform_1, window_bounds = array<i64: 200, 128>}]} {
    %get3A = arith.constant 0 : index
    %get3A_0 = arith.constant 0 : index
    %get3A_1 = vector.load %arg1[%get3A, %get3A_0] : memref<128x200xi32, #tpu.memory_space<vmem>>, vector<128x200xi32>
    %transpose3A = tpu.transpose %get3A_1, [1, 0] : vector<128x200xi32> -> vector<200x128xi32>
    %swap3A = arith.constant 0 : index
    %swap3A_2 = arith.constant 0 : index
    %swap3A_3 = vector.load %arg2[%swap3A, %swap3A_2] : memref<200x128xi32, #tpu.memory_space<vmem>>, vector<200x128xi32>
    tpu.vector_store %arg2[%swap3A, %swap3A_2], %transpose3A {strides = array<i32>} : memref<200x128xi32, #tpu.memory_space<vmem>>, vector<200x128xi32>,
    return
  }
  func.func @transform_0(%arg0: i32) -> (i32, i32) {
    %c0_i32 = arith.constant 0 : i32
    %c0_i32_0 = arith.constant 0 : i32
    return %arg0, %c0_i32 : i32, i32
  }
  func.func @transform_1(%arg0: i32) -> (i32, i32) {
    %c0_i32 = arith.constant 0 : i32
    %c0_i32_0 = arith.constant 0 : i32
    return %arg0, %c0_i32 : i32, i32
  }
}

module attributes {stable_mosaic.version = 14 : i64} {
  func.func @_head_body(%arg0: memref<4096x32xf32, #tpu.memory_space<vmem>>, %arg1: memref<32x10xf32, #tpu.memory_space<vmem>>, %arg2: memref<1x10xf32, #tpu.memory_space<vmem>>, %arg3: memref<4096x10xf32, #tpu.memory_space<vmem>>) attributes {dimension_semantics = [], scalar_prefetch = 0 : i64, scratch_operands = 0 : i64, tpu.core_type = #tpu.core_type<tc>} {
    %get3A = arith.constant 0 : index
    %get3A_0 = arith.constant 0 : index
    %get3A_1 = vector.load %arg0[%get3A, %get3A_0] : memref<4096x32xf32, #tpu.memory_space<vmem>>, vector<4096x32xf32>
    %get3A_2 = arith.constant 0 : index
    %get3A_3 = arith.constant 0 : index
    %get3A_4 = vector.load %arg1[%get3A_2, %get3A_3] : memref<32x10xf32, #tpu.memory_space<vmem>>, vector<32x10xf32>
    %dot_general3A = arith.constant dense<0.000000e+00> : vector<4096x10xf32>
    %dot_general3A_5 = tpu.matmul %get3A_1, %get3A_4, %dot_general3A {dimension_numbers = #tpu.dot_dimension_numbers<[1], [0], [0], [1], [0, 0, 1, 1], [], []>, transpose_lhs_hint = false} : vector<4096x32xf32>, vector<32x10xf32>, vector<4096x10xf32> -> vector<4096x10xf32>
    %get3A_6 = arith.constant 0 : index
    %get3A_7 = arith.constant 0 : index
    %get3A_8 = vector.load %arg2[%get3A_6, %get3A_7] : memref<1x10xf32, #tpu.memory_space<vmem>>, vector<1x10xf32>
    %add3A = vector.broadcast %get3A_8 : vector<1x10xf32> to vector<4096x10xf32>
    %add3A_9 = arith.addf %dot_general3A_5, %add3A : vector<4096x10xf32>
    %swap3A = arith.constant 0 : index
    %swap3A_10 = arith.constant 0 : index
    %swap3A_11 = vector.load %arg3[%swap3A, %swap3A_10] : memref<4096x10xf32, #tpu.memory_space<vmem>>, vector<4096x10xf32>
    tpu.vector_store %arg3[%swap3A, %swap3A_10], %add3A_9 {strides = array<i32>} : memref<4096x10xf32, #tpu.memory_space<vmem>>, vector<4096x10xf32>,
    return
  }
}

</mosaic_0001>

<sc_bundles>
// kernel: kernel.5.cloned.1.call-start
scs
__scs_entry_jumppad:
0x0: {  	(pc) =	sbr.rel $0x88, $3  }
0x1: {  	(tag) =	ssettag $0x0;
	lr =	simm.s32 $0x1  }
0x2: {  	[smem:$0x3F9D] =	sst lr;
	_ =	strace $0xD0000000  }
0x3: {  	_ = 	snop  }
0x4: {  	_ = 	snop  }
0x5: {  	_ = 	snop  }
0x6: {  	_ = 	snop  }
0x7: {  	_ = 	snop  }
__scs_overlays_trampoline_lowered:
0x8: {  	[smem:$0x3FAC] =	sst s0  }
0x9: {  	[smem:$0x3FAD] =	sst s1  }
0xa: {  	[smem:$0x3FAE] =	sst s2  }
0xb: {  	[smem:$0x3FAF] =	sst s3  }
0xc: {  	[smem:$0x3FB0] =	sst s4  }
0xd: {  	[smem:$0x3FB1] =	sst s5  }
0xe: {  	[smem:$0x3FB2] =	sst s6  }
0xf: {  	[smem:$0x3FB3] =	sst s7  }
0x10: {  	[smem:$0x3FB4] =	sst s8  }
0x11: {  	[smem:$0x3FB5] =	sst s9;
	s0 =	simm.s32 @!p0 $0x0  }
0x12: {  	s1 =	sld [smem:$0x3F9B];
	s0 =	simm.s32 @p0 $0x1  }
0x13: {  	[smem:$0x3FB6] =	sst s0;
	s0 =	simm.s32 @!p1 $0x0  }
0x14: {  	s2 =	sld [smem:$0x3F9A];
	s0 =	simm.s32 @p1 $0x1  }
0x15: {  	[smem:$0x3FB7] =	sst s0;
	s0 =	simm.s32 @!p2 $0x0  }
0x16: {  	s3 =	sld [smem:$0x3FDB];
	s0 =	simm.s32 @p2 $0x1  }
0x17: {  	s4 =	simm.s32 $0x1BF5;
	[smem:$0x3FB9] =	sst s0  }
0x18: {  	s0 =	sld [smem:$0x3F9C];
	_ =	swait.ge [sflag:s4], $0x0  }
0x19: {  	s7 =	sld [smem:$0x3F9D]  }
0x1a: {  	s8 =	sadd.s32 $0xFFFFE003, lr  }
0x1b: {  	s9 =	sadd.s32 $0xFFFFFEF7, lr;
	s5 =	simm.s32 $0xFFFFFFFF;
	p2 =	slt.u32 s8, $0xFFFFF086  }
0x1c: {  	p1 =	slt.u32 s9, $0xF7A;
	s5 =	simm.s32 @!p2 $0x0  }
0x1d: {  	s5 =	simm.s32 @p1 $0x1;
	p0 =	seq.s32 s7, s2  }
0x1e: {  	s7 =	smul.u32 @!p0 $0xF7A, s2;
	p2 =	seq.s32 @!p0 s5, $0x0  }
0x1f: {  	s9 =	smul.u32 $0xF7A, s1;
	s8 =	simm.s32 @!p0 $0x1BF5;
	p2 =	por !p2, p0  }
0x20: {  	[sflag:s8] =	ssyncset.s32 @!p0 $0xFFFFF086;
	s6 =	sadd.s32 @!p0 s3, s7;
	s7 =	simm.s32 @!p0 $0x108  }
0x21: {  	s3 =	sadd.s32 s3, s9;
	s6 =	sadd.s32 @!p0 $0x88, s6;
	s7 =	simm.s32 @p2 $0x1082  }
0x22: {  	[simem:s7], [sflag:s8] =	dma.local @!p0 [hbm:s6], $0xF7A  }
0x23: {  	s9 =	sor.u32 $0xD0000000, s2;
	s6 =	simm.s32 $0x108;
	_ =	swait.ge @!p0 [sflag:s8], $0x0  }
0x24: {  	s3 =	sadd.s32 $0x88, s3;
	s6 =	simm.s32 @!p1 $0x1082;
	[sflag:s4] =	ssyncset.s32 $0xFFFFF086  }
0x25: {  	[simem:s6], [sflag:s4] =	dma.local [hbm:s3], $0xF7A  }
0x26: {  	[smem:$0x3F9D] =	sst s1;
	(tag) =	ssettag s2;
	_ =	strace s9  }
0x27: {  	s1 =	sld [smem:$0x3FAD]  }
0x28: {  	s2 =	sld [smem:$0x3FAE]  }
0x29: {  	s4 =	sld [smem:$0x3FB0]  }
0x2a: {  	p0 =	seq.s32 s5, $0x0;
	s5 =	sld [smem:$0x3FB1]  }
0x2b: {  	s6 =	sld [smem:$0x3FB2]  }
0x2c: {  	s7 =	sld [smem:$0x3FB3]  }
0x2d: {  	s3 =	simm.s32 $0x108;
	s8 =	sld [smem:$0x3FB4]  }
0x2e: {  	s3 =	simm.s32 @!p0 $0x1082;
	s9 =	sld [smem:$0x3FB5]  }
0x2f: {  	lr =	sadd.s32 s0, s3;
	s0 =	sld [smem:$0x3FAC]  }
0x30: {  	s3 =	sld [smem:$0x3FAF]  }
0x31: {  	[smem:$0x3FB8] =	sst s10  }
0x32: {  	s10 =	sld [smem:$0x3FB6];
	_ =	sdelay $0x3  }
0x33: {  	p0 =	seq.s32 s10, $0x1;
	s10 =	sld [smem:$0x3FB8];
	_ =	sdelay $0x3  }
0x34: {  	[smem:$0x3FB8] =	sst s10  }
0x35: {  	s10 =	sld [smem:$0x3FB7];
	_ =	sdelay $0x3  }
0x36: {  	p1 =	seq.s32 s10, $0x1;
	s10 =	sld [smem:$0x3FB8];
	_ =	sdelay $0x3  }
0x37: {  	[smem:$0x3FB8] =	sst s10  }
0x38: {  	s10 =	sld [smem:$0x3FB9]  }
0x39: {  	_ = 	snop;
	(pc) =	sbr.ind lr, $3  }
0x3a: {  	_ = 	snop  }
0x3b: {  	_ = 	snop  }
0x3c: {  	p2 =	seq.s32 s10, $0x1;
	s10 =	sld [smem:$0x3FB8]  }
0x3d: {  	_ =	shalt  }
0x3e: {  	_ =	shalt  }
0x3f: {  	_ =	shalt  }
0x40: {  	_ =	shalt  }
0x41: {  	_ =	shalt  }
0x42: {  	_ =	shalt  }
0x43: {  	_ =	shalt  }
0x44: {  	_ =	shalt  }
0x45: {  	_ =	shalt  }
0x46: {  	_ =	shalt  }
0x47: {  	_ =	shalt  }
0x48: {  	_ =	shalt  }
0x49: {  	_ =	shalt  }
0x4a: {  	_ =	shalt  }
0x4b: {  	_ =	shalt  }
0x4c: {  	_ =	shalt  }
0x4d: {  	_ =	shalt  }
0x4e: {  	_ =	shalt  }
0x4f: {  	_ =	shalt  }
0x50: {  	_ =	shalt  }
0x51: {  	_ =	shalt  }
0x52: {  	_ =	shalt  }
0x53: {  	_ =	shalt  }
0x54: {  	_ =	shalt  }
0x55: {  	_ =	shalt  }
0x56: {  	_ =	shalt  }
0x57: {  	_ =	shalt  }
0x58: {  	_ =	shalt  }
0x59: {  	_ =	shalt  }
0x5a: {  	_ =	shalt  }
0x5b: {  	_ =	shalt  }
0x5c: {  	_ =	shalt  }
0x5d: {  	_ =	shalt  }
0x5e: {  	_ =	shalt  }
0x5f: {  	_ =	shalt  }
0x60: {  	_ =	shalt  }
0x61: {  	_ =	shalt  }
0x62: {  	_ =	shalt  }
0x63: {  	_ =	shalt  }
0x64: {  	_ =	shalt  }
0x65: {  	_ =	shalt  }
0x66: {  	_ =	shalt  }
0x67: {  	_ =	shalt  }
0x68: {  	_ =	shalt  }
0x69: {  	_ =	shalt  }
0x6a: {  	_ =	shalt  }
0x6b: {  	_ =	shalt  }
0x6c: {  	_ =	shalt  }
0x6d: {  	_ =	shalt  }
0x6e: {  	_ =	shalt  }
0x6f: {  	_ =	shalt  }
0x70: {  	_ =	shalt  }
0x71: {  	_ =	shalt  }
0x72: {  	_ =	shalt  }
0x73: {  	_ =	shalt  }
0x74: {  	_ =	shalt  }
0x75: {  	_ =	shalt  }
0x76: {  	_ =	shalt  }
0x77: {  	_ =	shalt  }
0x78: {  	_ =	shalt  }
0x79: {  	_ =	shalt  }
0x7a: {  	_ =	shalt  }
0x7b: {  	_ =	shalt  }
0x7c: {  	_ =	shalt  }
0x7d: {  	_ =	shalt  }
0x7e: {  	_ =	shalt  }
0x7f: {  	_ =	shalt  }
0x80: {  	_ =	shalt  }
0x81: {  	_ =	shalt  }
0x82: {  	_ =	shalt  }
0x83: {  	_ =	shalt  }
0x84: {  	_ =	shalt  }
0x85: {  	_ =	shalt  }
0x86: {  	_ =	shalt  }
0x87: {  	_ =	shalt  }
.Lfunc_end0:
.L_simem_size_0:
called_computation_lowered:
.L_overlay_start_0:
0x88: {  	s2 =	sld [smem:$0x3FD9]  }
0x89: {  	s3 =	sld [smem:$0x3FFE];
	_ =	sdelay $0x1  }
0x8a: {  	s1 =	srdreg.scid  }
0x8b: {  	s0 =	sand.u32 $0x1, s1  }
0x8c: {  	s16 =	sshll.u32 s0, $0xA;
	s2 =	sadd.s32 s3, s2  }
0x8d: {  	s2 =	sadd.s32 s2, s16  }
0x8e: {  	[smem:$0x3FC4] =	sst s2  }
0x8f: {  	_ = 	snop  }
0x90: {  	(tm) =	ssettm $0x1  }
0x91: {  	s17 =	sld [smem:$0x3FFB];
	_ =	sdelay $0x3  }
0x92: {  	_ =	strace s17  }
0x93: {  	s2 =	sld [smem:$0x3FFC];
	_ =	sdelay $0x3  }
0x94: {  	_ =	strace s2  }
0x95: {  	s2 =	sld [smem:$0x3FFD];
	_ =	sdelay $0x3  }
0x96: {  	_ =	strace s2  }
0x97: {  	_ =	strace $0x8FFFFFFF  }
0x98: {  	s18 =	sld [smem:$0x3FDB];
	_ =	sdelay $0x1  }
0x99: {  	s19 =	simm.s32 $_scs_section_size  }
0x9a: {  	s4 =	simm.s32 $_size__tile_overlayer_lowered;
	s5 =	simm.s32 $_tile_overlayer_lowered  }
0x9b: {  	s22 =	simm.s32 $0x1BFF;
	s21 =	sshll.u32 s5, $0x1;
	s2 =	sadd.s32 s19, s18  }
0x9c: {  	s6 =	simm.s32 $0x0;
	s20 =	sshll.u32 s4, $0x1;
	s4 =	sadd.s32 s21, s2  }
0x9d: {  	[timem:s6], [sflag:s22] =	dma.local [hbm:s4], s20  }
0x9e: {  	_ =	swait.ge [sflag:s22], s20  }
0x9f: {  	s3 =	ssub.s32 $0x0, s20;
	[sflag:s22] =	ssyncset.done $0x0  }
0xa0: {  	[sflag:s22] =	ssyncadd.s32 s3;
	_ =	sdelay $0x1  }
0xa1: {  	s23 =	simm.s32 $0x1B8B  }
0xa2: {  	_ =	swait.ge [sflag:s23], $0x1  }
0xa3: {  	[sflag:s23] =	ssyncset.done $0x0  }
0xa4: {  	s25 =	simm.s32 $0x1B8E;
	s24 =	sld [smem:$0x3FFE];
	[sflag:s23] =	ssyncadd.s32 $0xFFFFFFFF  }
0xa5: {  	s26 =	simm.s32 $execute0_lowered;
	[smem:$0x3FD2] =	sst s25  }
0xa6: {  	s4 =	sshll.u32 s26, $0x1;
	_ =	strace $0x80000046;
	[dreg:$0x1] =	wrdreg $0xFFFFFFFF  }
0xa7: {  	s28 =	simm.s32 $_size_execute0_lowered;
	s2 =	sadd.s32 s2, s4;
	[dreg:$0x0] =	wrdreg $0x0  }
0xa8: {  	s4 =	sshll.u32 s28, $0x1;
	[dreg:$0x2] =	wrdreg s2  }
0xa9: {  	[dreg:$0x3] =	wrdreg s4  }
0xaa: {  	[dreg:$0x4] =	wrdreg $0xC0  }
0xab: {  	_ =	task [dreg:s6], $0x5FFFF  }
0xac: {  	[dreg:$0x1] =	wrdreg $0xFFFFFFFF  }
0xad: {  	[dreg:$0x0] =	wrdreg $0x60  }
0xae: {  	[dreg:$0x2] =	wrdreg s24  }
0xaf: {  	[dreg:$0x3] =	wrdreg $0x9  }
0xb0: {  	_ =	task.clear_ibuf [dreg:s6], $0x4FFFF;
	_ =	strace $0x90000046  }
0xb1: {  	s29 =	simm.s32 $0x9;
	_ =	strace $0x80000048  }
0xb2: {  	_ =	swait.ge [sflag:s29], $0x1  }
0xb3: {  	[sflag:s29] =	ssyncadd.s32 $0xFFFFFFFF  }
0xb4: {  	_ =	strace $0x90000048  }
0xb5: {  	_ =	sfence  }
0xb6: {  	s30 =	sld [smem:$0x0];
	_ =	sdelay $0x2  }
0xb7: {  	s31 =	sshll.u32 s1, $0xD;
	s1 =	sshrl.u32 s1, $0x2  }
0xb8: {  	s3 =	sand.u32 $0x4000, s31;
	s1 =	sadd.s32 s1, s30  }
0xb9: {  	s0 =	sor.u32 s3, s0;
	s1 =	sshll.u32 s1, $0x11  }
0xba: {  	s0 =	sor.u32 s1, s0  }
0xbb: {  	s0 =	sadd.s32 $0x8F2B, s0  }
0xbc: {  	[sflag:s0] =	ssyncadd.remote.s32 $0x1  }
0xbd: {  	_ =	sfence.sel $0xFFFF  }
0xbe: {  	[dreg:$0x0] =	wrdreg $0xFFFFFFFF;
	(pc) =	sbr.abs _section_cstart, $3  }
0xbf: {  	[dreg:$0x1] =	wrdreg $0xFFFFFFFF  }
0xc0: {  	_ =	task.clear_ibuf [dreg:s6], $0x2FFFF;
	_ =	strace $0x9FFFFFFF  }
0xc1: {  	(tm) =	ssettm $0x7FFFFFFF  }
tec
execute0_lowered:
.L_overlay_start_1:
0x0: {  	(tag) =	ssettag $0x1  }
0x1: {  	s1 =	srdreg.scid;
	s0 =	stileid.u32  }
0x2: {  	s4 =	rddreg [dreg:$0x0];
	s2 =	simm.s32 $0x0;
	s8 =	simm.s32 $0x80  }
0x3: {  	s9 =	simm.s32 $0x6400;
	s10 =	simm.s32 $0x1;
	s11 =	simm.s32 $0x0  }
0x4: {  	s3 =	sand.u32 $0x1, s1;
	s5 =	sshll.u32 s0, $0x1;
	[smem:$0x7FF] =	sst s2  }
0x5: {  	s1 =	rddreg [dreg:$0x1];
	s5 =	sor.u32 s3, s5;
	_ =	strace $0x80000047  }
0x6: {  	s7 =	ssub.s32 $0x2, s3;
	s6 =	smul.u32 $0xC80, s5;
	s5 =	sshll.u32 s5, $0x9  }
0x7: {  	s3 =	sadd.s32 $0xF43000, s4;
	s31 =	sshrl.u32 s7, $0x1;
	s5 =	sadd.s32 s5, s4  }
0x8: {  	s7 =	ssub.s32 s7, s31;
	s6 =	sadd.s32 s6, s4;
	s5 =	sadd.s32 $0x19C00, s5  }
0x9: {  	v0 =	vimm.f32 $0.0e+00;
	s4 =	sadd.s32 $0xC00, s6;
	s6 =	smax.u32 s7, $0x1;
	s7 =	simm.s32 $0x2  }
.LBB2_1:
0xa: {  	[tilespmem:s2], [sflag:$0x2] =	stream.linear.gather [hbm4b:s4+s2], $0x6400, $0x38;
	[tilespmem:$0x7400] =	vst v63  }
0xb: {  	_ =	swait.ge [sflag:s7], $0x6400  }
0xc: {  	[sflag:s7] =	ssyncset.done $0x0  }
0xd: {  	[sflag:s7] =	ssyncadd.s32 $0xFFFF9C00  }
0xe: {  	[tilespmem:$0x6400] =	vst v0  }
0xf: {  	[tilespmem:$0x6410] =	vst v0  }
0x10: {  	[tilespmem:$0x6420] =	vst v0  }
0x11: {  	[tilespmem:$0x6430] =	vst v0  }
0x12: {  	[tilespmem:$0x6440] =	vst v0  }
0x13: {  	[tilespmem:$0x6450] =	vst v0  }
0x14: {  	[tilespmem:$0x6460] =	vst v0  }
0x15: {  	[tilespmem:$0x6470] =	vst v0  }
0x16: {  	[tilespmem:$0x6480] =	vst v0  }
0x17: {  	[tilespmem:$0x6490] =	vst v0  }
0x18: {  	[tilespmem:$0x64A0] =	vst v0  }
0x19: {  	[tilespmem:$0x64B0] =	vst v0  }
0x1a: {  	[tilespmem:$0x64C0] =	vst v0  }
0x1b: {  	[tilespmem:$0x64D0] =	vst v0  }
0x1c: {  	[tilespmem:$0x64E0] =	vst v0  }
0x1d: {  	[tilespmem:$0x64F0] =	vst v0  }
0x1e: {  	[tilespmem:$0x6500] =	vst v0  }
0x1f: {  	[tilespmem:$0x6510] =	vst v0  }
0x20: {  	[tilespmem:$0x6520] =	vst v0  }
0x21: {  	[tilespmem:$0x6530] =	vst v0  }
0x22: {  	[tilespmem:$0x6540] =	vst v0  }
0x23: {  	[tilespmem:$0x6550] =	vst v0  }
0x24: {  	[tilespmem:$0x6560] =	vst v0  }
0x25: {  	[tilespmem:$0x6570] =	vst v0  }
0x26: {  	[tilespmem:$0x6580] =	vst v0  }
0x27: {  	[tilespmem:$0x6590] =	vst v0  }
0x28: {  	[tilespmem:$0x65A0] =	vst v0  }
0x29: {  	[tilespmem:$0x65B0] =	vst v0  }
0x2a: {  	[tilespmem:$0x65C0] =	vst v0  }
0x2b: {  	[tilespmem:$0x65D0] =	vst v0  }
0x2c: {  	[tilespmem:$0x65E0] =	vst v0  }
0x2d: {  	[tilespmem:$0x65F0] =	vst v0  }
0x2e: {  	[tilespmem:$0x6600] =	vst v0  }
0x2f: {  	[tilespmem:$0x6610] =	vst v0  }
0x30: {  	[tilespmem:$0x6620] =	vst v0  }
0x31: {  	[tilespmem:$0x6630] =	vst v0  }
0x32: {  	[tilespmem:$0x6640] =	vst v0  }
0x33: {  	[tilespmem:$0x6650] =	vst v0  }
0x34: {  	[tilespmem:$0x6660] =	vst v0  }
0x35: {  	[tilespmem:$0x6670] =	vst v0  }
0x36: {  	[tilespmem:$0x6680] =	vst v0  }
0x37: {  	[tilespmem:$0x6690] =	vst v0  }
0x38: {  	[tilespmem:$0x66A0] =	vst v0  }
0x39: {  	[tilespmem:$0x66B0] =	vst v0  }
0x3a: {  	[tilespmem:$0x66C0] =	vst v0  }
0x3b: {  	[tilespmem:$0x66D0] =	vst v0  }
0x3c: {  	[tilespmem:$0x66E0] =	vst v0  }
0x3d: {  	[tilespmem:$0x66F0] =	vst v0  }
0x3e: {  	[tilespmem:$0x6700] =	vst v0  }
0x3f: {  	[tilespmem:$0x6710] =	vst v0  }
0x40: {  	[tilespmem:$0x6720] =	vst v0  }
0x41: {  	[tilespmem:$0x6730] =	vst v0  }
0x42: {  	[tilespmem:$0x6740] =	vst v0  }
0x43: {  	[tilespmem:$0x6750] =	vst v0  }
0x44: {  	[tilespmem:$0x6760] =	vst v0  }
0x45: {  	[tilespmem:$0x6770] =	vst v0  }
0x46: {  	[tilespmem:$0x6780] =	vst v0  }
0x47: {  	[tilespmem:$0x6790] =	vst v0  }
0x48: {  	[tilespmem:$0x67A0] =	vst v0  }
0x49: {  	[tilespmem:$0x67B0] =	vst v0  }
0x4a: {  	[tilespmem:$0x67C0] =	vst v0  }
0x4b: {  	[tilespmem:$0x67D0] =	vst v0  }
0x4c: {  	[tilespmem:$0x67E0] =	vst v0  }
0x4d: {  	[tilespmem:$0x67F0] =	vst v0  }
0x4e: {  	[tilespmem:$0x6800] =	vst v0  }
0x4f: {  	[tilespmem:$0x6810] =	vst v0  }
0x50: {  	[tilespmem:$0x6820] =	vst v0  }
0x51: {  	[tilespmem:$0x6830] =	vst v0  }
0x52: {  	[tilespmem:$0x6840] =	vst v0  }
0x53: {  	[tilespmem:$0x6850] =	vst v0  }
0x54: {  	[tilespmem:$0x6860] =	vst v0  }
0x55: {  	[tilespmem:$0x6870] =	vst v0  }
0x56: {  	[tilespmem:$0x6880] =	vst v0  }
0x57: {  	[tilespmem:$0x6890] =	vst v0  }
0x58: {  	[tilespmem:$0x68A0] =	vst v0  }
0x59: {  	[tilespmem:$0x68B0] =	vst v0  }
0x5a: {  	[tilespmem:$0x68C0] =	vst v0  }
0x5b: {  	[tilespmem:$0x68D0] =	vst v0  }
0x5c: {  	[tilespmem:$0x68E0] =	vst v0  }
0x5d: {  	[tilespmem:$0x68F0] =	vst v0  }
0x5e: {  	[tilespmem:$0x6900] =	vst v0  }
0x5f: {  	[tilespmem:$0x6910] =	vst v0  }
0x60: {  	[tilespmem:$0x6920] =	vst v0  }
0x61: {  	[tilespmem:$0x6930] =	vst v0  }
0x62: {  	[tilespmem:$0x6940] =	vst v0  }
0x63: {  	[tilespmem:$0x6950] =	vst v0  }
0x64: {  	[tilespmem:$0x6960] =	vst v0  }
0x65: {  	[tilespmem:$0x6970] =	vst v0  }
0x66: {  	[tilespmem:$0x6980] =	vst v0  }
0x67: {  	[tilespmem:$0x6990] =	vst v0  }
0x68: {  	[tilespmem:$0x69A0] =	vst v0  }
0x69: {  	[tilespmem:$0x69B0] =	vst v0  }
0x6a: {  	[tilespmem:$0x69C0] =	vst v0  }
0x6b: {  	[tilespmem:$0x69D0] =	vst v0  }
0x6c: {  	[tilespmem:$0x69E0] =	vst v0  }
0x6d: {  	[tilespmem:$0x69F0] =	vst v0  }
0x6e: {  	[tilespmem:$0x6A00] =	vst v0  }
0x6f: {  	[tilespmem:$0x6A10] =	vst v0  }
0x70: {  	[tilespmem:$0x6A20] =	vst v0  }
0x71: {  	[tilespmem:$0x6A30] =	vst v0  }
0x72: {  	[tilespmem:$0x6A40] =	vst v0  }
0x73: {  	[tilespmem:$0x6A50] =	vst v0  }
0x74: {  	[tilespmem:$0x6A60] =	vst v0  }
0x75: {  	[tilespmem:$0x6A70] =	vst v0  }
0x76: {  	[tilespmem:$0x6A80] =	vst v0  }
0x77: {  	[tilespmem:$0x6A90] =	vst v0  }
0x78: {  	[tilespmem:$0x6AA0] =	vst v0  }
0x79: {  	[tilespmem:$0x6AB0] =	vst v0  }
0x7a: {  	[tilespmem:$0x6AC0] =	vst v0  }
0x7b: {  	[tilespmem:$0x6AD0] =	vst v0  }
0x7c: {  	[tilespmem:$0x6AE0] =	vst v0  }
0x7d: {  	[tilespmem:$0x6AF0] =	vst v0  }
0x7e: {  	[tilespmem:$0x6B00] =	vst v0  }
0x7f: {  	[tilespmem:$0x6B10] =	vst v0  }
0x80: {  	[tilespmem:$0x6B20] =	vst v0  }
0x81: {  	[tilespmem:$0x6B30] =	vst v0  }
0x82: {  	[tilespmem:$0x6B40] =	vst v0  }
0x83: {  	[tilespmem:$0x6B50] =	vst v0  }
0x84: {  	[tilespmem:$0x6B60] =	vst v0  }
0x85: {  	[tilespmem:$0x6B70] =	vst v0  }
0x86: {  	[tilespmem:$0x6B80] =	vst v0  }
0x87: {  	[tilespmem:$0x6B90] =	vst v0  }
0x88: {  	[tilespmem:$0x6BA0] =	vst v0  }
0x89: {  	[tilespmem:$0x6BB0] =	vst v0  }
0x8a: {  	[tilespmem:$0x6BC0] =	vst v0  }
0x8b: {  	[tilespmem:$0x6BD0] =	vst v0  }
0x8c: {  	[tilespmem:$0x6BE0] =	vst v0  }
0x8d: {  	[tilespmem:$0x6BF0] =	vst v0  }
0x8e: {  	[tilespmem:$0x6C00] =	vst v0  }
0x8f: {  	[tilespmem:$0x6C10] =	vst v0  }
0x90: {  	[tilespmem:$0x6C20] =	vst v0  }
0x91: {  	[tilespmem:$0x6C30] =	vst v0  }
0x92: {  	[tilespmem:$0x6C40] =	vst v0  }
0x93: {  	[tilespmem:$0x6C50] =	vst v0  }
0x94: {  	[tilespmem:$0x6C60] =	vst v0  }
0x95: {  	[tilespmem:$0x6C70] =	vst v0  }
0x96: {  	[tilespmem:$0x6C80] =	vst v0  }
0x97: {  	[tilespmem:$0x6C90] =	vst v0  }
0x98: {  	[tilespmem:$0x6CA0] =	vst v0  }
0x99: {  	[tilespmem:$0x6CB0] =	vst v0  }
0x9a: {  	[tilespmem:$0x6CC0] =	vst v0  }
0x9b: {  	[tilespmem:$0x6CD0] =	vst v0  }
0x9c: {  	[tilespmem:$0x6CE0] =	vst v0  }
0x9d: {  	[tilespmem:$0x6CF0] =	vst v0  }
0x9e: {  	[tilespmem:$0x6D00] =	vst v0  }
0x9f: {  	[tilespmem:$0x6D10] =	vst v0  }
0xa0: {  	[tilespmem:$0x6D20] =	vst v0  }
0xa1: {  	[tilespmem:$0x6D30] =	vst v0  }
0xa2: {  	[tilespmem:$0x6D40] =	vst v0  }
0xa3: {  	[tilespmem:$0x6D50] =	vst v0  }
0xa4: {  	[tilespmem:$0x6D60] =	vst v0  }
0xa5: {  	[tilespmem:$0x6D70] =	vst v0  }
0xa6: {  	[tilespmem:$0x6D80] =	vst v0  }
0xa7: {  	[tilespmem:$0x6D90] =	vst v0  }
0xa8: {  	[tilespmem:$0x6DA0] =	vst v0  }
0xa9: {  	[tilespmem:$0x6DB0] =	vst v0  }
0xaa: {  	[tilespmem:$0x6DC0] =	vst v0  }
0xab: {  	[tilespmem:$0x6DD0] =	vst v0  }
0xac: {  	[tilespmem:$0x6DE0] =	vst v0  }
0xad: {  	[tilespmem:$0x6DF0] =	vst v0  }
0xae: {  	[tilespmem:$0x6E00] =	vst v0  }
0xaf: {  	[tilespmem:$0x6E10] =	vst v0  }
0xb0: {  	[tilespmem:$0x6E20] =	vst v0  }
0xb1: {  	[tilespmem:$0x6E30] =	vst v0  }
0xb2: {  	[tilespmem:$0x6E40] =	vst v0  }
0xb3: {  	[tilespmem:$0x6E50] =	vst v0  }
0xb4: {  	[tilespmem:$0x6E60] =	vst v0  }
0xb5: {  	[tilespmem:$0x6E70] =	vst v0  }
0xb6: {  	[tilespmem:$0x6E80] =	vst v0  }
0xb7: {  	[tilespmem:$0x6E90] =	vst v0  }
0xb8: {  	[tilespmem:$0x6EA0] =	vst v0  }
0xb9: {  	[tilespmem:$0x6EB0] =	vst v0  }
0xba: {  	[tilespmem:$0x6EC0] =	vst v0  }
0xbb: {  	[tilespmem:$0x6ED0] =	vst v0  }
0xbc: {  	[tilespmem:$0x6EE0] =	vst v0  }
0xbd: {  	[tilespmem:$0x6EF0] =	vst v0  }
0xbe: {  	[tilespmem:$0x6F00] =	vst v0  }
0xbf: {  	[tilespmem:$0x6F10] =	vst v0  }
0xc0: {  	[tilespmem:$0x6F20] =	vst v0  }
0xc1: {  	[tilespmem:$0x6F30] =	vst v0  }
0xc2: {  	[tilespmem:$0x6F40] =	vst v0  }
0xc3: {  	[tilespmem:$0x6F50] =	vst v0  }
0xc4: {  	[tilespmem:$0x6F60] =	vst v0  }
0xc5: {  	[tilespmem:$0x6F70] =	vst v0  }
0xc6: {  	[tilespmem:$0x6F80] =	vst v0  }
0xc7: {  	[tilespmem:$0x6F90] =	vst v0  }
0xc8: {  	[tilespmem:$0x6FA0] =	vst v0  }
0xc9: {  	[tilespmem:$0x6FB0] =	vst v0  }
0xca: {  	[tilespmem:$0x6FC0] =	vst v0  }
0xcb: {  	[tilespmem:$0x6FD0] =	vst v0  }
0xcc: {  	[tilespmem:$0x6FE0] =	vst v0  }
0xcd: {  	[tilespmem:$0x6FF0] =	vst v0  }
0xce: {  	[tilespmem:$0x7000] =	vst v0  }
0xcf: {  	[tilespmem:$0x7010] =	vst v0  }
0xd0: {  	[tilespmem:$0x7020] =	vst v0  }
0xd1: {  	[tilespmem:$0x7030] =	vst v0  }
0xd2: {  	[tilespmem:$0x7040] =	vst v0  }
0xd3: {  	[tilespmem:$0x7050] =	vst v0  }
0xd4: {  	[tilespmem:$0x7060] =	vst v0  }
0xd5: {  	[tilespmem:$0x7070] =	vst v0  }
0xd6: {  	[tilespmem:$0x7080] =	vst v0  }
0xd7: {  	[tilespmem:$0x7090] =	vst v0  }
0xd8: {  	[tilespmem:$0x70A0] =	vst v0  }
0xd9: {  	[tilespmem:$0x70B0] =	vst v0  }
0xda: {  	[tilespmem:$0x70C0] =	vst v0  }
0xdb: {  	[tilespmem:$0x70D0] =	vst v0  }
0xdc: {  	[tilespmem:$0x70E0] =	vst v0  }
0xdd: {  	[tilespmem:$0x70F0] =	vst v0  }
0xde: {  	[tilespmem:$0x7100] =	vst v0  }
0xdf: {  	[tilespmem:$0x7110] =	vst v0  }
0xe0: {  	[tilespmem:$0x7120] =	vst v0  }
0xe1: {  	[tilespmem:$0x7130] =	vst v0  }
0xe2: {  	[tilespmem:$0x7140] =	vst v0  }
0xe3: {  	[tilespmem:$0x7150] =	vst v0  }
0xe4: {  	[tilespmem:$0x7160] =	vst v0  }
0xe5: {  	[tilespmem:$0x7170] =	vst v0  }
0xe6: {  	[tilespmem:$0x7180] =	vst v0  }
0xe7: {  	[tilespmem:$0x7190] =	vst v0  }
0xe8: {  	[tilespmem:$0x71A0] =	vst v0  }
0xe9: {  	[tilespmem:$0x71B0] =	vst v0  }
0xea: {  	[tilespmem:$0x71C0] =	vst v0  }
0xeb: {  	[tilespmem:$0x71D0] =	vst v0  }
0xec: {  	[tilespmem:$0x71E0] =	vst v0  }
0xed: {  	[tilespmem:$0x71F0] =	vst v0  }
0xee: {  	[tilespmem:$0x7200] =	vst v0  }
0xef: {  	[tilespmem:$0x7210] =	vst v0  }
0xf0: {  	[tilespmem:$0x7220] =	vst v0  }
0xf1: {  	[tilespmem:$0x7230] =	vst v0  }
0xf2: {  	[tilespmem:$0x7240] =	vst v0  }
0xf3: {  	[tilespmem:$0x7250] =	vst v0  }
0xf4: {  	[tilespmem:$0x7260] =	vst v0  }
0xf5: {  	[tilespmem:$0x7270] =	vst v0  }
0xf6: {  	[tilespmem:$0x7280] =	vst v0  }
0xf7: {  	[tilespmem:$0x7290] =	vst v0  }
0xf8: {  	[tilespmem:$0x72A0] =	vst v0  }
0xf9: {  	[tilespmem:$0x72B0] =	vst v0  }
0xfa: {  	[tilespmem:$0x72C0] =	vst v0  }
0xfb: {  	[tilespmem:$0x72D0] =	vst v0  }
0xfc: {  	[tilespmem:$0x72E0] =	vst v0  }
0xfd: {  	[tilespmem:$0x72F0] =	vst v0  }
0xfe: {  	[tilespmem:$0x7300] =	vst v0  }
0xff: {  	[tilespmem:$0x7310] =	vst v0  }
0x100: {  	[tilespmem:$0x7320] =	vst v0  }
0x101: {  	[tilespmem:$0x7330] =	vst v0  }
0x102: {  	[tilespmem:$0x7340] =	vst v0  }
0x103: {  	[tilespmem:$0x7350] =	vst v0  }
0x104: {  	[tilespmem:$0x7360] =	vst v0  }
0x105: {  	[tilespmem:$0x7370] =	vst v0  }
0x106: {  	[tilespmem:$0x7380] =	vst v0  }
0x107: {  	[tilespmem:$0x7390] =	vst v0  }
0x108: {  	[tilespmem:$0x73A0] =	vst v0  }
0x109: {  	[tilespmem:$0x73B0] =	vst v0  }
0x10a: {  	[tilespmem:$0x73C0] =	vst v0  }
0x10b: {  	[tilespmem:$0x73D0] =	vst v0  }
0x10c: {  	[tilespmem:$0x73E0] =	vst v0  }
0x10d: {  	s12 =	simm.s32 $0x0;
	[tilespmem:$0x73F0] =	vst v0  }
.LBB2_2:
0x10e: {  	p0 =	sne.s32 s12, $0x18E00  }
.Ltmp0:
0x10f: {  	_ = 	snop;
	(pc) =	sbr.rel @p0 .LBB2_2-.Ltmp0, $3  }
0x110: {  	_ =	sdelay $0x1  }
0x111: {  	s13 =	sshra.s32 s12, $0x2;
	s12 =	sadd.s32 $0x200, s12  }
0x112: {  	[tilespmem:s9], [sflag:$0x1] =	stream.indirect.gather.add.f32 [hbm:s3], $0x20, s13, s8, $0xb8;
	[tilespmem:$0x7400] =	vst v63  }
0x113: {  	_ =	swait.ge [sflag:s10], $0x1000  }
0x114: {  	s12 =	simm.s32 $0xC7;
	[sflag:s10] =	ssyncset.done $0x0  }
.LBB2_4:
0x115: {  	p0 =	sne.s32 s12, $0x1;
	s12 =	sadd.s32 $0xFFFFFFFF, s12;
	[sflag:s10] =	ssyncadd.s32 $0xFFFFF000  }
.Ltmp1:
0x116: {  	(pc) =	sbr.rel @p0 .LBB2_4-.Ltmp1, $3  }
0x117: {  	_ =	sdelay $0x1  }
0x118: {  	_ =	swait.ge [sflag:s10], $0x1000  }
0x119: {  	[sflag:s10] =	ssyncset.done $0x0  }
0x11a: {  	s11 =	sadd.s32 $0x1, s11  }
0x11b: {  	p0 =	sne.s32 s11, s6  }
.Ltmp2:
0x11c: {  	[sflag:s10] =	ssyncadd.s32 $0xFFFFF000;
	(pc) =	sbr.rel @p0 .LBB2_1-.Ltmp2, $4  }
0x11d: {  	[hbm4b:s5+s2] =	stream.linear.scatter [tilespmem:s9], [sflag:$0x2], $0x1000, $0x38;
	[tilespmem:$0x7400] =	vst v63  }
0x11e: {  	_ =	swait.ge [sflag:s7], $0x1000  }
0x11f: {  	[sflag:s7] =	ssyncset.done $0x0  }
0x120: {  	[sflag:s7] =	ssyncadd.s32 $0xFFFFF000  }
0x121: {  	_ =	sfence.sel $0x180000  }
0x122: {  	[bflag:$0x0] =	sbarrier.arrive $0xFFFF  }
0x123: {  	p0 =	sne.s32 s0, $0x0;
	_ =	strace $0x90000047  }
0x124: {  	s0 =	sadd.s32 @!p0 $0x100000, s1;
	[bflag:$0x2] =	sbarrier.arrive $0xFFFF  }
0x125: {  	[sflag:s0] =	ssyncadd.tile.s32 @!p0 $0x1;
	_ =	shalt  }
.Lfunc_end2:
_tile_overlayer_lowered:
.L_overlay_start_2:
0x126: {  	(tag) =	ssettag $0x2  }
0x127: {  	s0 =	rddreg [dreg:$0x0];
	s2 =	stileid.u32  }
0x128: {  	s1 =	rddreg [dreg:$0x1];
	p0 =	sne.s32 s2, $0x0  }
0x129: {  	s3 =	rddreg [dreg:$0x2];
	[bflag:$0x3] =	sbarrier.arrive $0xFFFF;
	s2 =	simm.s32 @!p0 $0x1C02  }
0x12a: {  	[timem:s3], [sflag:s2] =	dma.local @!p0 [hbm:s0], s1  }
0x12b: {  	s0 =	simm.s32 @!p0 $0x2  }
0x12c: {  	_ =	swait.ge @!p0 [sflag:s0], s1  }
0x12d: {  	s1 =	ssub.s32 @!p0 $0x0, s1;
	[sflag:s0] =	ssyncset.done @!p0 $0x0  }
0x12e: {  	[sflag:s0] =	ssyncadd.s32 @!p0 s1  }
0x12f: {  	[bflag:$0x3] =	sbarrier.arrive $0xFFFF  }
0x130: {  	_ =	shalt  }

</sc_bundles>
